<compile_context>
chip_gen: v7x
topology: tpu7x:2x2x1
jax: 0.10.2.dev20260603
libtpu: 0.0.44.dev20260713+nightly
codegen_flags: <defaults>
</compile_context>

<pallas_src>
import functools

import jax
import jax.numpy as jnp
from jax import lax
from jax.experimental import pallas as pl
from jax.experimental.pallas import tpu as pltpu
from jax.experimental.pallas import tpu_sc as plsc

N_ENT = 1000000
N_REL = 1000
D = 64
B = 16384

NC = 2
NS = 16
NW = NC * NS
BPW = B // NW
GROUPS = BPW // 16
ROW_BYTES = D * 4


@functools.partial(
    pl.kernel,
    out_type=jax.ShapeDtypeStruct((B,), jnp.float32),
    mesh=plsc.VectorSubcoreMesh(core_axis_name="c", subcore_axis_name="s"),
    compiler_params=pltpu.CompilerParams(needs_layout_passes=False),
    scratch_types=[
        pltpu.VMEM((BPW,), jnp.int32),
        pltpu.VMEM((BPW,), jnp.int32),
        pltpu.VMEM((BPW,), jnp.int32),
        pltpu.VMEM((BPW // 2, 2 * D), jnp.float32),
        pltpu.VMEM((BPW // 2, 2 * D), jnp.float32),
        pltpu.VMEM((BPW // 2, 2 * D), jnp.float32),
        pltpu.VMEM((BPW,), jnp.float32),
        pltpu.SemaphoreType.DMA,
    ],
)
def _kge_sc(src_hbm, tgt_hbm, rel_hbm, ent_hbm, relt_hbm, drain_hbm, out_hbm,
            idx_s, idx_t, idx_r, s_rows, t_rows, r_rows, out_v, sem):
    wid = lax.axis_index("s") * NC + lax.axis_index("c")
    base = wid * BPW

    pltpu.sync_copy(src_hbm.at[pl.ds(base, BPW)], idx_s)
    pltpu.sync_copy(tgt_hbm.at[pl.ds(base, BPW)], idx_t)
    pltpu.sync_copy(rel_hbm.at[pl.ds(base, BPW)], idx_r)

    def issue_body(g, _):
        vs = idx_s[pl.ds(g * 16, 16)]
        vt = idx_t[pl.ds(g * 16, 16)]
        vr = idx_r[pl.ds(g * 16, 16)]
        for k in range(16):
            r2 = g * 8 + (k // 2)
            cds = pl.ds((k % 2) * D, D)
            pltpu.async_copy(ent_hbm.at[vs[k]], s_rows.at[r2, cds], sem)
            pltpu.async_copy(ent_hbm.at[vt[k]], t_rows.at[r2, cds], sem)
            pltpu.async_copy(relt_hbm.at[vr[k]], r_rows.at[r2, cds], sem)
        return 0

    lax.fori_loop(0, GROUPS, issue_body, 0)

    pltpu.make_async_copy(drain_hbm, s_rows, sem).wait()
    pltpu.make_async_copy(drain_hbm, t_rows, sem).wait()
    pltpu.make_async_copy(drain_hbm, r_rows, sem).wait()

    lane = lax.iota(jnp.int32, 16)
    lane_half = lax.shift_right_logical(lane, 1)
    colbase = lax.mul(lax.bitwise_and(lane, jnp.ones((16,), jnp.int32)),
                      jnp.full((16,), D, jnp.int32))

    def group_body(g, _):
        rowhalf = g * 8 + lane_half

        def dim_body(j, acc):
            col = colbase + j
            sv = plsc.load_gather(s_rows, [rowhalf, col])
            tv = plsc.load_gather(t_rows, [rowhalf, col])
            rv = plsc.load_gather(r_rows, [rowhalf, col])
            return acc + sv * tv * rv

        acc = lax.fori_loop(0, D, dim_body, jnp.zeros((16,), jnp.float32),
                            unroll=8)
        out_v[pl.ds(g * 16, 16)] = acc
        return 0

    lax.fori_loop(0, GROUPS, group_body, 0)

    pltpu.sync_copy(out_v, out_hbm.at[pl.ds(base, BPW)])


def kernel(sources, targets, rels, ent_table, rel_table):
    drain = jnp.zeros((BPW // 2, 2 * D), jnp.float32)
    return _kge_sc(sources.astype(jnp.int32), targets.astype(jnp.int32),
                   rels.astype(jnp.int32), ent_table, rel_table, drain)

# --- scband reference (transcript-rebuilt; emitter-appended) ---
"""Pipeline reference for scband-kge-39633958207844 (READ-ONLY COPY).

The authoritative reference and input builder live on the scoring server;
editing this copy changes nothing except your own understanding.
"""

import jax, jax.numpy as jnp
import numpy as np

N_ENTS = 1000000
N_RELS = 1000
ENT_DIM = 64
REL_DIM = 64
BATCH = 16384


def setup_inputs(seed: int = 0) -> dict:
    key = jax.random.key(seed)
    k1, k2, k3, k4, k5 = jax.random.split(key, 5)
    sources = jax.random.randint(k1, (BATCH,), 0, N_ENTS)
    targets = jax.random.randint(k2, (BATCH,), 0, N_ENTS)
    rels = jax.random.randint(k3, (BATCH,), 0, N_RELS)
    # learned parameters, initialized uniform(-0.1, 0.1) as in KGE.init()
    ent_table = jax.random.uniform(k4, (N_ENTS, ENT_DIM), minval=-0.1, maxval=0.1, dtype=jnp.float32)
    rel_table = jax.random.uniform(k5, (N_RELS, REL_DIM), minval=-0.1, maxval=0.1, dtype=jnp.float32)
    return {"sources": sources, "targets": targets, "rels": rels,
            "ent_table": ent_table, "rel_table": rel_table}


def reference(sources, targets, rels, ent_table, rel_table):
    # embedding lookups (the core of KGE.forward in concrete subclasses)
    s = jnp.take(ent_table, sources, axis=0)
    t = jnp.take(ent_table, targets, axis=0)
    r = jnp.take(rel_table, rels, axis=0)
    # inner_prod scoring: sum(s * r * t, dim=1)  (DistMult-style, per KGE.inner_prod)
    return jnp.sum(s * r * t, axis=1)

if __name__ == "__main__":
    import jax
    _d = setup_inputs()
    print(jax.jit(kernel)(*tuple(_d.values())))

</pallas_src>

<mosaic_0001>
#map = affine_map<(d0, d1) -> (0)>
#map1 = affine_map<(d0, d1) -> (0, 0)>
module attributes {stable_mosaic.version = 14 : i64} {
  func.func @_kge_sc(%arg0: i32, %arg1: i32, %arg2: memref<16384xi32, #tpu.memory_space<hbm>>, %arg3: memref<16384xi32, #tpu.memory_space<hbm>>, %arg4: memref<16384xi32, #tpu.memory_space<hbm>>, %arg5: memref<1000000x64xf32, #tpu.memory_space<hbm>>, %arg6: memref<1000x64xf32, #tpu.memory_space<hbm>>, %arg7: memref<256x128xf32, #tpu.memory_space<hbm>>, %arg8: memref<16384xf32, #tpu.memory_space<hbm>>, %arg9: memref<512xi32, #tpu.memory_space<vmem>>, %arg10: memref<512xi32, #tpu.memory_space<vmem>>, %arg11: memref<512xi32, #tpu.memory_space<vmem>>, %arg12: memref<256x128xf32, #tpu.memory_space<vmem>>, %arg13: memref<256x128xf32, #tpu.memory_space<vmem>>, %arg14: memref<256x128xf32, #tpu.memory_space<vmem>>, %arg15: memref<512xf32, #tpu.memory_space<vmem>>, %arg16: memref<!tpu.dma_semaphore, #tpu.memory_space<semaphore_mem>>) attributes {dimension_semantics = [#tpu.dimension_semantics<core_parallel>, #tpu.dimension_semantics<subcore_parallel>], iteration_bounds = array<i64: 2, 16>, scalar_prefetch = 0 : i64, scratch_operands = 8 : i64, tpu.core_type = #tpu.core_type<sc_vector_subcore>, window_params = [{transform_indices = #map}, {transform_indices = #map}, {transform_indices = #map}, {transform_indices = #map1}, {transform_indices = #map1}, {transform_indices = #map1}, {transform_indices = #map}]} {
    %mul3A = arith.constant 2 : i32
    %mul3A_0 = arith.muli %arg1, %mul3A : i32
    %add3A = arith.addi %mul3A_0, %arg0 : i32
    %mul3A_1 = arith.constant 512 : i32
    %mul3A_2 = arith.muli %add3A, %mul3A_1 : i32
    "tpu.region"() ({
      %run_scoped3A = tpu.sem_alloc : memref<!tpu.dma_semaphore, #tpu.memory_space<semaphore_mem>>
      %dma_start3A = tpu.memref_slice %arg2[%mul3A_2] : memref<16384xi32, #tpu.memory_space<hbm>> -> memref<512xi32, #tpu.memory_space<hbm>>
      %dma_start3A_22 = tpu.memref_slice %arg2[%mul3A_2] : memref<16384xi32, #tpu.memory_space<hbm>> -> memref<512xi32, #tpu.memory_space<hbm>>
      tpu.enqueue_dma source(%dma_start3A_22 : memref<512xi32, #tpu.memory_space<hbm>>) target(%arg9 : memref<512xi32, #tpu.memory_space<vmem>>) target_semaphore(%run_scoped3A : memref<!tpu.dma_semaphore, #tpu.memory_space<semaphore_mem>>)
      %dma_wait3A = tpu.memref_slice %arg2[%mul3A_2] : memref<16384xi32, #tpu.memory_space<hbm>> -> memref<512xi32, #tpu.memory_space<hbm>>
      %dma_wait3A_23 = tpu.memref_slice %arg2[%mul3A_2] : memref<16384xi32, #tpu.memory_space<hbm>> -> memref<512xi32, #tpu.memory_space<hbm>>
      tpu.wait_dma2 semaphore(%run_scoped3A : memref<!tpu.dma_semaphore, #tpu.memory_space<semaphore_mem>>) src(%dma_wait3A_23 : memref<512xi32, #tpu.memory_space<hbm>>) dst(%arg9 : memref<512xi32, #tpu.memory_space<vmem>>)
      tpu.yield
    }) : () -> ()
    "tpu.region"() ({
      %run_scoped3A = tpu.sem_alloc : memref<!tpu.dma_semaphore, #tpu.memory_space<semaphore_mem>>
      %dma_start3A = tpu.memref_slice %arg3[%mul3A_2] : memref<16384xi32, #tpu.memory_space<hbm>> -> memref<512xi32, #tpu.memory_space<hbm>>
      %dma_start3A_22 = tpu.memref_slice %arg3[%mul3A_2] : memref<16384xi32, #tpu.memory_space<hbm>> -> memref<512xi32, #tpu.memory_space<hbm>>
      tpu.enqueue_dma source(%dma_start3A_22 : memref<512xi32, #tpu.memory_space<hbm>>) target(%arg10 : memref<512xi32, #tpu.memory_space<vmem>>) target_semaphore(%run_scoped3A : memref<!tpu.dma_semaphore, #tpu.memory_space<semaphore_mem>>)
      %dma_wait3A = tpu.memref_slice %arg3[%mul3A_2] : memref<16384xi32, #tpu.memory_space<hbm>> -> memref<512xi32, #tpu.memory_space<hbm>>
      %dma_wait3A_23 = tpu.memref_slice %arg3[%mul3A_2] : memref<16384xi32, #tpu.memory_space<hbm>> -> memref<512xi32, #tpu.memory_space<hbm>>
      tpu.wait_dma2 semaphore(%run_scoped3A : memref<!tpu.dma_semaphore, #tpu.memory_space<semaphore_mem>>) src(%dma_wait3A_23 : memref<512xi32, #tpu.memory_space<hbm>>) dst(%arg10 : memref<512xi32, #tpu.memory_space<vmem>>)
      tpu.yield
    }) : () -> ()
    "tpu.region"() ({
      %run_scoped3A = tpu.sem_alloc : memref<!tpu.dma_semaphore, #tpu.memory_space<semaphore_mem>>
      %dma_start3A = tpu.memref_slice %arg4[%mul3A_2] : memref<16384xi32, #tpu.memory_space<hbm>> -> memref<512xi32, #tpu.memory_space<hbm>>
      %dma_start3A_22 = tpu.memref_slice %arg4[%mul3A_2] : memref<16384xi32, #tpu.memory_space<hbm>> -> memref<512xi32, #tpu.memory_space<hbm>>
      tpu.enqueue_dma source(%dma_start3A_22 : memref<512xi32, #tpu.memory_space<hbm>>) target(%arg11 : memref<512xi32, #tpu.memory_space<vmem>>) target_semaphore(%run_scoped3A : memref<!tpu.dma_semaphore, #tpu.memory_space<semaphore_mem>>)
      %dma_wait3A = tpu.memref_slice %arg4[%mul3A_2] : memref<16384xi32, #tpu.memory_space<hbm>> -> memref<512xi32, #tpu.memory_space<hbm>>
      %dma_wait3A_23 = tpu.memref_slice %arg4[%mul3A_2] : memref<16384xi32, #tpu.memory_space<hbm>> -> memref<512xi32, #tpu.memory_space<hbm>>
      tpu.wait_dma2 semaphore(%run_scoped3A : memref<!tpu.dma_semaphore, #tpu.memory_space<semaphore_mem>>) src(%dma_wait3A_23 : memref<512xi32, #tpu.memory_space<hbm>>) dst(%arg11 : memref<512xi32, #tpu.memory_space<vmem>>)
      tpu.yield
    }) : () -> ()
    %scan3A = arith.constant 0 : i32
    %scan3A_3 = arith.constant 0 : i32
    %scan3A_4 = arith.constant 32 : i32
    %scan3A_5 = arith.addi %scan3A_3, %scan3A_4 : i32
    %scan3A_6 = arith.constant 1 : i32
    %scan3A_7 = scf.for %scan3A_22 = %scan3A_3 to %scan3A_5 step %scan3A_6 iter_args(%scan3A_23 = %scan3A) -> (i32)  : i32 {
      %mul3A_24 = arith.constant 16 : i32
      %mul3A_25 = arith.muli %scan3A_22, %mul3A_24 : i32
      %get3A = arith.index_cast %mul3A_25 : i32 to index
      %get3A_26 = tpu.vector_load %arg9[%get3A] {strides = array<i32>} : memref<512xi32, #tpu.memory_space<vmem>>, vector<16xi32>,
      %mul3A_27 = arith.constant 16 : i32
      %mul3A_28 = arith.muli %scan3A_22, %mul3A_27 : i32
      %get3A_29 = arith.index_cast %mul3A_28 : i32 to index
      %get3A_30 = tpu.vector_load %arg10[%get3A_29] {strides = array<i32>} : memref<512xi32, #tpu.memory_space<vmem>>, vector<16xi32>,
      %mul3A_31 = arith.constant 16 : i32
      %mul3A_32 = arith.muli %scan3A_22, %mul3A_31 : i32
      %get3A_33 = arith.index_cast %mul3A_32 : i32 to index
      %get3A_34 = tpu.vector_load %arg11[%get3A_33] {strides = array<i32>} : memref<512xi32, #tpu.memory_space<vmem>>, vector<16xi32>,
      %mul3A_35 = arith.constant 8 : i32
      %mul3A_36 = arith.muli %scan3A_22, %mul3A_35 : i32
      %add3A_37 = arith.constant 0 : i32
      %add3A_38 = arith.addi %mul3A_36, %add3A_37 : i32
      %slice3A = vector.extract_strided_slice %get3A_26 {offsets = [0], sizes = [1], strides = [1]} : vector<16xi32> to vector<1xi32>
      %squeeze3A = vector.extract %slice3A[0] : i32 from vector<1xi32>
      %dma_start3A = arith.constant 0 : i32
      %dma_start3A_39 = tpu.memref_slice %arg12[%add3A_38, %dma_start3A] : memref<256x128xf32, #tpu.memory_space<vmem>> -> memref<1x64xf32, #tpu.memory_space<vmem>>
      %dma_start3A_40 = tpu.memref_squeeze %dma_start3A_39 : memref<1x64xf32, #tpu.memory_space<vmem>> -> memref<64xf32, #tpu.memory_space<vmem>>
      %dma_start3A_41 = arith.constant 0 : i32
      %dma_start3A_42 = tpu.memref_slice %arg5[%squeeze3A, %dma_start3A_41] : memref<1000000x64xf32, #tpu.memory_space<hbm>> -> memref<1x64xf32, #tpu.memory_space<hbm>>
      %dma_start3A_43 = tpu.memref_squeeze %dma_start3A_42 : memref<1x64xf32, #tpu.memory_space<hbm>> -> memref<64xf32, #tpu.memory_space<hbm>>
      %dma_start3A_44 = arith.constant 0 : i32
      %dma_start3A_45 = tpu.memref_slice %arg12[%add3A_38, %dma_start3A_44] : memref<256x128xf32, #tpu.memory_space<vmem>> -> memref<1x64xf32, #tpu.memory_space<vmem>>
      %dma_start3A_46 = tpu.memref_squeeze %dma_start3A_45 : memref<1x64xf32, #tpu.memory_space<vmem>> -> memref<64xf32, #tpu.memory_space<vmem>>
      %dma_start3A_47 = arith.constant 0 : i32
      %dma_start3A_48 = tpu.memref_slice %arg5[%squeeze3A, %dma_start3A_47] : memref<1000000x64xf32, #tpu.memory_space<hbm>> -> memref<1x64xf32, #tpu.memory_space<hbm>>
      %dma_start3A_49 = tpu.memref_squeeze %dma_start3A_48 : memref<1x64xf32, #tpu.memory_space<hbm>> -> memref<64xf32, #tpu.memory_space<hbm>>
      tpu.enqueue_dma source(%dma_start3A_49 : memref<64xf32, #tpu.memory_space<hbm>>) target(%dma_start3A_46 : memref<64xf32, #tpu.memory_space<vmem>>) target_semaphore(%arg16 : memref<!tpu.dma_semaphore, #tpu.memory_space<semaphore_mem>>)
      %slice3A_50 = vector.extract_strided_slice %get3A_30 {offsets = [0], sizes = [1], strides = [1]} : vector<16xi32> to vector<1xi32>
      %squeeze3A_51 = vector.extract %slice3A_50[0] : i32 from vector<1xi32>
      %dma_start3A_52 = arith.constant 0 : i32
      %dma_start3A_53 = tpu.memref_slice %arg13[%add3A_38, %dma_start3A_52] : memref<256x128xf32, #tpu.memory_space<vmem>> -> memref<1x64xf32, #tpu.memory_space<vmem>>
      %dma_start3A_54 = tpu.memref_squeeze %dma_start3A_53 : memref<1x64xf32, #tpu.memory_space<vmem>> -> memref<64xf32, #tpu.memory_space<vmem>>
      %dma_start3A_55 = arith.constant 0 : i32
      %dma_start3A_56 = tpu.memref_slice %arg5[%squeeze3A_51, %dma_start3A_55] : memref<1000000x64xf32, #tpu.memory_space<hbm>> -> memref<1x64xf32, #tpu.memory_space<hbm>>
      %dma_start3A_57 = tpu.memref_squeeze %dma_start3A_56 : memref<1x64xf32, #tpu.memory_space<hbm>> -> memref<64xf32, #tpu.memory_space<hbm>>
      %dma_start3A_58 = arith.constant 0 : i32
      %dma_start3A_59 = tpu.memref_slice %arg13[%add3A_38, %dma_start3A_58] : memref<256x128xf32, #tpu.memory_space<vmem>> -> memref<1x64xf32, #tpu.memory_space<vmem>>
      %dma_start3A_60 = tpu.memref_squeeze %dma_start3A_59 : memref<1x64xf32, #tpu.memory_space<vmem>> -> memref<64xf32, #tpu.memory_space<vmem>>
      %dma_start3A_61 = arith.constant 0 : i32
      %dma_start3A_62 = tpu.memref_slice %arg5[%squeeze3A_51, %dma_start3A_61] : memref<1000000x64xf32, #tpu.memory_space<hbm>> -> memref<1x64xf32, #tpu.memory_space<hbm>>
      %dma_start3A_63 = tpu.memref_squeeze %dma_start3A_62 : memref<1x64xf32, #tpu.memory_space<hbm>> -> memref<64xf32, #tpu.memory_space<hbm>>
      tpu.enqueue_dma source(%dma_start3A_63 : memref<64xf32, #tpu.memory_space<hbm>>) target(%dma_start3A_60 : memref<64xf32, #tpu.memory_space<vmem>>) target_semaphore(%arg16 : memref<!tpu.dma_semaphore, #tpu.memory_space<semaphore_mem>>)
      %slice3A_64 = vector.extract_strided_slice %get3A_34 {offsets = [0], sizes = [1], strides = [1]} : vector<16xi32> to vector<1xi32>
      %squeeze3A_65 = vector.extract %slice3A_64[0] : i32 from vector<1xi32>
      %dma_start3A_66 = arith.constant 0 : i32
      %dma_start3A_67 = tpu.memref_slice %arg14[%add3A_38, %dma_start3A_66] : memref<256x128xf32, #tpu.memory_space<vmem>> -> memref<1x64xf32, #tpu.memory_space<vmem>>
      %dma_start3A_68 = tpu.memref_squeeze %dma_start3A_67 : memref<1x64xf32, #tpu.memory_space<vmem>> -> memref<64xf32, #tpu.memory_space<vmem>>
      %dma_start3A_69 = arith.constant 0 : i32
      %dma_start3A_70 = tpu.memref_slice %arg6[%squeeze3A_65, %dma_start3A_69] : memref<1000x64xf32, #tpu.memory_space<hbm>> -> memref<1x64xf32, #tpu.memory_space<hbm>>
      %dma_start3A_71 = tpu.memref_squeeze %dma_start3A_70 : memref<1x64xf32, #tpu.memory_space<hbm>> -> memref<64xf32, #tpu.memory_space<hbm>>
      %dma_start3A_72 = arith.constant 0 : i32
      %dma_start3A_73 = tpu.memref_slice %arg14[%add3A_38, %dma_start3A_72] : memref<256x128xf32, #tpu.memory_space<vmem>> -> memref<1x64xf32, #tpu.memory_space<vmem>>
      %dma_start3A_74 = tpu.memref_squeeze %dma_start3A_73 : memref<1x64xf32, #tpu.memory_space<vmem>> -> memref<64xf32, #tpu.memory_space<vmem>>
      %dma_start3A_75 = arith.constant 0 : i32
      %dma_start3A_76 = tpu.memref_slice %arg6[%squeeze3A_65, %dma_start3A_75] : memref<1000x64xf32, #tpu.memory_space<hbm>> -> memref<1x64xf32, #tpu.memory_space<hbm>>
      %dma_start3A_77 = tpu.memref_squeeze %dma_start3A_76 : memref<1x64xf32, #tpu.memory_space<hbm>> -> memref<64xf32, #tpu.memory_space<hbm>>
      tpu.enqueue_dma source(%dma_start3A_77 : memref<64xf32, #tpu.memory_space<hbm>>) target(%dma_start3A_74 : memref<64xf32, #tpu.memory_space<vmem>>) target_semaphore(%arg16 : memref<!tpu.dma_semaphore, #tpu.memory_space<semaphore_mem>>)
      %mul3A_78 = arith.constant 8 : i32
      %mul3A_79 = arith.muli %scan3A_22, %mul3A_78 : i32
      %add3A_80 = arith.constant 0 : i32
      %add3A_81 = arith.addi %mul3A_79, %add3A_80 : i32
      %slice3A_82 = vector.extract_strided_slice %get3A_26 {offsets = [1], sizes = [1], strides = [1]} : vector<16xi32> to vector<1xi32>
      %squeeze3A_83 = vector.extract %slice3A_82[0] : i32 from vector<1xi32>
      %dma_start3A_84 = arith.constant 64 : i32
      %dma_start3A_85 = tpu.memref_slice %arg12[%add3A_81, %dma_start3A_84] : memref<256x128xf32, #tpu.memory_space<vmem>> -> memref<1x64xf32, #tpu.memory_space<vmem>>
      %dma_start3A_86 = tpu.memref_squeeze %dma_start3A_85 : memref<1x64xf32, #tpu.memory_space<vmem>> -> memref<64xf32, #tpu.memory_space<vmem>>
      %dma_start3A_87 = arith.constant 0 : i32
      %dma_start3A_88 = tpu.memref_slice %arg5[%squeeze3A_83, %dma_start3A_87] : memref<1000000x64xf32, #tpu.memory_space<hbm>> -> memref<1x64xf32, #tpu.memory_space<hbm>>
      %dma_start3A_89 = tpu.memref_squeeze %dma_start3A_88 : memref<1x64xf32, #tpu.memory_space<hbm>> -> memref<64xf32, #tpu.memory_space<hbm>>
      %dma_start3A_90 = arith.constant 64 : i32
      %dma_start3A_91 = tpu.memref_slice %arg12[%add3A_81, %dma_start3A_90] : memref<256x128xf32, #tpu.memory_space<vmem>> -> memref<1x64xf32, #tpu.memory_space<vmem>>
      %dma_start3A_92 = tpu.memref_squeeze %dma_start3A_91 : memref<1x64xf32, #tpu.memory_space<vmem>> -> memref<64xf32, #tpu.memory_space<vmem>>
      %dma_start3A_93 = arith.constant 0 : i32
      %dma_start3A_94 = tpu.memref_slice %arg5[%squeeze3A_83, %dma_start3A_93] : memref<1000000x64xf32, #tpu.memory_space<hbm>> -> memref<1x64xf32, #tpu.memory_space<hbm>>
      %dma_start3A_95 = tpu.memref_squeeze %dma_start3A_94 : memref<1x64xf32, #tpu.memory_space<hbm>> -> memref<64xf32, #tpu.memory_space<hbm>>
      tpu.enqueue_dma source(%dma_start3A_95 : memref<64xf32, #tpu.memory_space<hbm>>) target(%dma_start3A_92 : memref<64xf32, #tpu.memory_space<vmem>>) target_semaphore(%arg16 : memref<!tpu.dma_semaphore, #tpu.memory_space<semaphore_mem>>)
      %slice3A_96 = vector.extract_strided_slice %get3A_30 {offsets = [1], sizes = [1], strides = [1]} : vector<16xi32> to vector<1xi32>
      %squeeze3A_97 = vector.extract %slice3A_96[0] : i32 from vector<1xi32>
      %dma_start3A_98 = arith.constant 64 : i32
      %dma_start3A_99 = tpu.memref_slice %arg13[%add3A_81, %dma_start3A_98] : memref<256x128xf32, #tpu.memory_space<vmem>> -> memref<1x64xf32, #tpu.memory_space<vmem>>
      %dma_start3A_100 = tpu.memref_squeeze %dma_start3A_99 : memref<1x64xf32, #tpu.memory_space<vmem>> -> memref<64xf32, #tpu.memory_space<vmem>>
      %dma_start3A_101 = arith.constant 0 : i32
      %dma_start3A_102 = tpu.memref_slice %arg5[%squeeze3A_97, %dma_start3A_101] : memref<1000000x64xf32, #tpu.memory_space<hbm>> -> memref<1x64xf32, #tpu.memory_space<hbm>>
      %dma_start3A_103 = tpu.memref_squeeze %dma_start3A_102 : memref<1x64xf32, #tpu.memory_space<hbm>> -> memref<64xf32, #tpu.memory_space<hbm>>
      %dma_start3A_104 = arith.constant 64 : i32
      %dma_start3A_105 = tpu.memref_slice %arg13[%add3A_81, %dma_start3A_104] : memref<256x128xf32, #tpu.memory_space<vmem>> -> memref<1x64xf32, #tpu.memory_space<vmem>>
      %dma_start3A_106 = tpu.memref_squeeze %dma_start3A_105 : memref<1x64xf32, #tpu.memory_space<vmem>> -> memref<64xf32, #tpu.memory_space<vmem>>
      %dma_start3A_107 = arith.constant 0 : i32
      %dma_start3A_108 = tpu.memref_slice %arg5[%squeeze3A_97, %dma_start3A_107] : memref<1000000x64xf32, #tpu.memory_space<hbm>> -> memref<1x64xf32, #tpu.memory_space<hbm>>
      %dma_start3A_109 = tpu.memref_squeeze %dma_start3A_108 : memref<1x64xf32, #tpu.memory_space<hbm>> -> memref<64xf32, #tpu.memory_space<hbm>>
      tpu.enqueue_dma source(%dma_start3A_109 : memref<64xf32, #tpu.memory_space<hbm>>) target(%dma_start3A_106 : memref<64xf32, #tpu.memory_space<vmem>>) target_semaphore(%arg16 : memref<!tpu.dma_semaphore, #tpu.memory_space<semaphore_mem>>)
      %slice3A_110 = vector.extract_strided_slice %get3A_34 {offsets = [1], sizes = [1], strides = [1]} : vector<16xi32> to vector<1xi32>
      %squeeze3A_111 = vector.extract %slice3A_110[0] : i32 from vector<1xi32>
      %dma_start3A_112 = arith.constant 64 : i32
      %dma_start3A_113 = tpu.memref_slice %arg14[%add3A_81, %dma_start3A_112] : memref<256x128xf32, #tpu.memory_space<vmem>> -> memref<1x64xf32, #tpu.memory_space<vmem>>
      %dma_start3A_114 = tpu.memref_squeeze %dma_start3A_113 : memref<1x64xf32, #tpu.memory_space<vmem>> -> memref<64xf32, #tpu.memory_space<vmem>>
      %dma_start3A_115 = arith.constant 0 : i32
      %dma_start3A_116 = tpu.memref_slice %arg6[%squeeze3A_111, %dma_start3A_115] : memref<1000x64xf32, #tpu.memory_space<hbm>> -> memref<1x64xf32, #tpu.memory_space<hbm>>
      %dma_start3A_117 = tpu.memref_squeeze %dma_start3A_116 : memref<1x64xf32, #tpu.memory_space<hbm>> -> memref<64xf32, #tpu.memory_space<hbm>>
      %dma_start3A_118 = arith.constant 64 : i32
      %dma_start3A_119 = tpu.memref_slice %arg14[%add3A_81, %dma_start3A_118] : memref<256x128xf32, #tpu.memory_space<vmem>> -> memref<1x64xf32, #tpu.memory_space<vmem>>
      %dma_start3A_120 = tpu.memref_squeeze %dma_start3A_119 : memref<1x64xf32, #tpu.memory_space<vmem>> -> memref<64xf32, #tpu.memory_space<vmem>>
      %dma_start3A_121 = arith.constant 0 : i32
      %dma_start3A_122 = tpu.memref_slice %arg6[%squeeze3A_111, %dma_start3A_121] : memref<1000x64xf32, #tpu.memory_space<hbm>> -> memref<1x64xf32, #tpu.memory_space<hbm>>
      %dma_start3A_123 = tpu.memref_squeeze %dma_start3A_122 : memref<1x64xf32, #tpu.memory_space<hbm>> -> memref<64xf32, #tpu.memory_space<hbm>>
      tpu.enqueue_dma source(%dma_start3A_123 : memref<64xf32, #tpu.memory_space<hbm>>) target(%dma_start3A_120 : memref<64xf32, #tpu.memory_space<vmem>>) target_semaphore(%arg16 : memref<!tpu.dma_semaphore, #tpu.memory_space<semaphore_mem>>)
      %mul3A_124 = arith.constant 8 : i32
      %mul3A_125 = arith.muli %scan3A_22, %mul3A_124 : i32
      %add3A_126 = arith.constant 1 : i32
      %add3A_127 = arith.addi %mul3A_125, %add3A_126 : i32
      %slice3A_128 = vector.extract_strided_slice %get3A_26 {offsets = [2], sizes = [1], strides = [1]} : vector<16xi32> to vector<1xi32>
      %squeeze3A_129 = vector.extract %slice3A_128[0] : i32 from vector<1xi32>
      %dma_start3A_130 = arith.constant 0 : i32
      %dma_start3A_131 = tpu.memref_slice %arg12[%add3A_127, %dma_start3A_130] : memref<256x128xf32, #tpu.memory_space<vmem>> -> memref<1x64xf32, #tpu.memory_space<vmem>>
      %dma_start3A_132 = tpu.memref_squeeze %dma_start3A_131 : memref<1x64xf32, #tpu.memory_space<vmem>> -> memref<64xf32, #tpu.memory_space<vmem>>
      %dma_start3A_133 = arith.constant 0 : i32
      %dma_start3A_134 = tpu.memref_slice %arg5[%squeeze3A_129, %dma_start3A_133] : memref<1000000x64xf32, #tpu.memory_space<hbm>> -> memref<1x64xf32, #tpu.memory_space<hbm>>
      %dma_start3A_135 = tpu.memref_squeeze %dma_start3A_134 : memref<1x64xf32, #tpu.memory_space<hbm>> -> memref<64xf32, #tpu.memory_space<hbm>>
      %dma_start3A_136 = arith.constant 0 : i32
      %dma_start3A_137 = tpu.memref_slice %arg12[%add3A_127, %dma_start3A_136] : memref<256x128xf32, #tpu.memory_space<vmem>> -> memref<1x64xf32, #tpu.memory_space<vmem>>
      %dma_start3A_138 = tpu.memref_squeeze %dma_start3A_137 : memref<1x64xf32, #tpu.memory_space<vmem>> -> memref<64xf32, #tpu.memory_space<vmem>>
      %dma_start3A_139 = arith.constant 0 : i32
      %dma_start3A_140 = tpu.memref_slice %arg5[%squeeze3A_129, %dma_start3A_139] : memref<1000000x64xf32, #tpu.memory_space<hbm>> -> memref<1x64xf32, #tpu.memory_space<hbm>>
      %dma_start3A_141 = tpu.memref_squeeze %dma_start3A_140 : memref<1x64xf32, #tpu.memory_space<hbm>> -> memref<64xf32, #tpu.memory_space<hbm>>
      tpu.enqueue_dma source(%dma_start3A_141 : memref<64xf32, #tpu.memory_space<hbm>>) target(%dma_start3A_138 : memref<64xf32, #tpu.memory_space<vmem>>) target_semaphore(%arg16 : memref<!tpu.dma_semaphore, #tpu.memory_space<semaphore_mem>>)
      %slice3A_142 = vector.extract_strided_slice %get3A_30 {offsets = [2], sizes = [1], strides = [1]} : vector<16xi32> to vector<1xi32>
      %squeeze3A_143 = vector.extract %slice3A_142[0] : i32 from vector<1xi32>
      %dma_start3A_144 = arith.constant 0 : i32
      %dma_start3A_145 = tpu.memref_slice %arg13[%add3A_127, %dma_start3A_144] : memref<256x128xf32, #tpu.memory_space<vmem>> -> memref<1x64xf32, #tpu.memory_space<vmem>>
      %dma_start3A_146 = tpu.memref_squeeze %dma_start3A_145 : memref<1x64xf32, #tpu.memory_space<vmem>> -> memref<64xf32, #tpu.memory_space<vmem>>
      %dma_start3A_147 = arith.constant 0 : i32
      %dma_start3A_148 = tpu.memref_slice %arg5[%squeeze3A_143, %dma_start3A_147] : memref<1000000x64xf32, #tpu.memory_space<hbm>> -> memref<1x64xf32, #tpu.memory_space<hbm>>
      %dma_start3A_149 = tpu.memref_squeeze %dma_start3A_148 : memref<1x64xf32, #tpu.memory_space<hbm>> -> memref<64xf32, #tpu.memory_space<hbm>>
      %dma_start3A_150 = arith.constant 0 : i32
      %dma_start3A_151 = tpu.memref_slice %arg13[%add3A_127, %dma_start3A_150] : memref<256x128xf32, #tpu.memory_space<vmem>> -> memref<1x64xf32, #tpu.memory_space<vmem>>
      %dma_start3A_152 = tpu.memref_squeeze %dma_start3A_151 : memref<1x64xf32, #tpu.memory_space<vmem>> -> memref<64xf32, #tpu.memory_space<vmem>>
      %dma_start3A_153 = arith.constant 0 : i32
      %dma_start3A_154 = tpu.memref_slice %arg5[%squeeze3A_143, %dma_start3A_153] : memref<1000000x64xf32, #tpu.memory_space<hbm>> -> memref<1x64xf32, #tpu.memory_space<hbm>>
      %dma_start3A_155 = tpu.memref_squeeze %dma_start3A_154 : memref<1x64xf32, #tpu.memory_space<hbm>> -> memref<64xf32, #tpu.memory_space<hbm>>
      tpu.enqueue_dma source(%dma_start3A_155 : memref<64xf32, #tpu.memory_space<hbm>>) target(%dma_start3A_152 : memref<64xf32, #tpu.memory_space<vmem>>) target_semaphore(%arg16 : memref<!tpu.dma_semaphore, #tpu.memory_space<semaphore_mem>>)
      %slice3A_156 = vector.extract_strided_slice %get3A_34 {offsets = [2], sizes = [1], strides = [1]} : vector<16xi32> to vector<1xi32>
      %squeeze3A_157 = vector.extract %slice3A_156[0] : i32 from vector<1xi32>
      %dma_start3A_158 = arith.constant 0 : i32
      %dma_start3A_159 = tpu.memref_slice %arg14[%add3A_127, %dma_start3A_158] : memref<256x128xf32, #tpu.memory_space<vmem>> -> memref<1x64xf32, #tpu.memory_space<vmem>>
      %dma_start3A_160 = tpu.memref_squeeze %dma_start3A_159 : memref<1x64xf32, #tpu.memory_space<vmem>> -> memref<64xf32, #tpu.memory_space<vmem>>
      %dma_start3A_161 = arith.constant 0 : i32
      %dma_start3A_162 = tpu.memref_slice %arg6[%squeeze3A_157, %dma_start3A_161] : memref<1000x64xf32, #tpu.memory_space<hbm>> -> memref<1x64xf32, #tpu.memory_space<hbm>>
      %dma_start3A_163 = tpu.memref_squeeze %dma_start3A_162 : memref<1x64xf32, #tpu.memory_space<hbm>> -> memref<64xf32, #tpu.memory_space<hbm>>
      %dma_start3A_164 = arith.constant 0 : i32
      %dma_start3A_165 = tpu.memref_slice %arg14[%add3A_127, %dma_start3A_164] : memref<256x128xf32, #tpu.memory_space<vmem>> -> memref<1x64xf32, #tpu.memory_space<vmem>>
      %dma_start3A_166 = tpu.memref_squeeze %dma_start3A_165 : memref<1x64xf32, #tpu.memory_space<vmem>> -> memref<64xf32, #tpu.memory_space<vmem>>
      %dma_start3A_167 = arith.constant 0 : i32
      %dma_start3A_168 = tpu.memref_slice %arg6[%squeeze3A_157, %dma_start3A_167] : memref<1000x64xf32, #tpu.memory_space<hbm>> -> memref<1x64xf32, #tpu.memory_space<hbm>>
      %dma_start3A_169 = tpu.memref_squeeze %dma_start3A_168 : memref<1x64xf32, #tpu.memory_space<hbm>> -> memref<64xf32, #tpu.memory_space<hbm>>
      tpu.enqueue_dma source(%dma_start3A_169 : memref<64xf32, #tpu.memory_space<hbm>>) target(%dma_start3A_166 : memref<64xf32, #tpu.memory_space<vmem>>) target_semaphore(%arg16 : memref<!tpu.dma_semaphore, #tpu.memory_space<semaphore_mem>>)
      %mul3A_170 = arith.constant 8 : i32
      %mul3A_171 = arith.muli %scan3A_22, %mul3A_170 : i32
      %add3A_172 = arith.constant 1 : i32
      %add3A_173 = arith.addi %mul3A_171, %add3A_172 : i32
      %slice3A_174 = vector.extract_strided_slice %get3A_26 {offsets = [3], sizes = [1], strides = [1]} : vector<16xi32> to vector<1xi32>
      %squeeze3A_175 = vector.extract %slice3A_174[0] : i32 from vector<1xi32>
      %dma_start3A_176 = arith.constant 64 : i32
      %dma_start3A_177 = tpu.memref_slice %arg12[%add3A_173, %dma_start3A_176] : memref<256x128xf32, #tpu.memory_space<vmem>> -> memref<1x64xf32, #tpu.memory_space<vmem>>
      %dma_start3A_178 = tpu.memref_squeeze %dma_start3A_177 : memref<1x64xf32, #tpu.memory_space<vmem>> -> memref<64xf32, #tpu.memory_space<vmem>>
      %dma_start3A_179 = arith.constant 0 : i32
      %dma_start3A_180 = tpu.memref_slice %arg5[%squeeze3A_175, %dma_start3A_179] : memref<1000000x64xf32, #tpu.memory_space<hbm>> -> memref<1x64xf32, #tpu.memory_space<hbm>>
      %dma_start3A_181 = tpu.memref_squeeze %dma_start3A_180 : memref<1x64xf32, #tpu.memory_space<hbm>> -> memref<64xf32, #tpu.memory_space<hbm>>
      %dma_start3A_182 = arith.constant 64 : i32
      %dma_start3A_183 = tpu.memref_slice %arg12[%add3A_173, %dma_start3A_182] : memref<256x128xf32, #tpu.memory_space<vmem>> -> memref<1x64xf32, #tpu.memory_space<vmem>>
      %dma_start3A_184 = tpu.memref_squeeze %dma_start3A_183 : memref<1x64xf32, #tpu.memory_space<vmem>> -> memref<64xf32, #tpu.memory_space<vmem>>
      %dma_start3A_185 = arith.constant 0 : i32
      %dma_start3A_186 = tpu.memref_slice %arg5[%squeeze3A_175, %dma_start3A_185] : memref<1000000x64xf32, #tpu.memory_space<hbm>> -> memref<1x64xf32, #tpu.memory_space<hbm>>
      %dma_start3A_187 = tpu.memref_squeeze %dma_start3A_186 : memref<1x64xf32, #tpu.memory_space<hbm>> -> memref<64xf32, #tpu.memory_space<hbm>>
      tpu.enqueue_dma source(%dma_start3A_187 : memref<64xf32, #tpu.memory_space<hbm>>) target(%dma_start3A_184 : memref<64xf32, #tpu.memory_space<vmem>>) target_semaphore(%arg16 : memref<!tpu.dma_semaphore, #tpu.memory_space<semaphore_mem>>)
      %slice3A_188 = vector.extract_strided_slice %get3A_30 {offsets = [3], sizes = [1], strides = [1]} : vector<16xi32> to vector<1xi32>
      %squeeze3A_189 = vector.extract %slice3A_188[0] : i32 from vector<1xi32>
      %dma_start3A_190 = arith.constant 64 : i32
      %dma_start3A_191 = tpu.memref_slice %arg13[%add3A_173, %dma_start3A_190] : memref<256x128xf32, #tpu.memory_space<vmem>> -> memref<1x64xf32, #tpu.memory_space<vmem>>
      %dma_start3A_192 = tpu.memref_squeeze %dma_start3A_191 : memref<1x64xf32, #tpu.memory_space<vmem>> -> memref<64xf32, #tpu.memory_space<vmem>>
      %dma_start3A_193 = arith.constant 0 : i32
      %dma_start3A_194 = tpu.memref_slice %arg5[%squeeze3A_189, %dma_start3A_193] : memref<1000000x64xf32, #tpu.memory_space<hbm>> -> memref<1x64xf32, #tpu.memory_space<hbm>>
      %dma_start3A_195 = tpu.memref_squeeze %dma_start3A_194 : memref<1x64xf32, #tpu.memory_space<hbm>> -> memref<64xf32, #tpu.memory_space<hbm>>
      %dma_start3A_196 = arith.constant 64 : i32
      %dma_start3A_197 = tpu.memref_slice %arg13[%add3A_173, %dma_start3A_196] : memref<256x128xf32, #tpu.memory_space<vmem>> -> memref<1x64xf32, #tpu.memory_space<vmem>>
      %dma_start3A_198 = tpu.memref_squeeze %dma_start3A_197 : memref<1x64xf32, #tpu.memory_space<vmem>> -> memref<64xf32, #tpu.memory_space<vmem>>
      %dma_start3A_199 = arith.constant 0 : i32
      %dma_start3A_200 = tpu.memref_slice %arg5[%squeeze3A_189, %dma_start3A_199] : memref<1000000x64xf32, #tpu.memory_space<hbm>> -> memref<1x64xf32, #tpu.memory_space<hbm>>
      %dma_start3A_201 = tpu.memref_squeeze %dma_start3A_200 : memref<1x64xf32, #tpu.memory_space<hbm>> -> memref<64xf32, #tpu.memory_space<hbm>>
      tpu.enqueue_dma source(%dma_start3A_201 : memref<64xf32, #tpu.memory_space<hbm>>) target(%dma_start3A_198 : memref<64xf32, #tpu.memory_space<vmem>>) target_semaphore(%arg16 : memref<!tpu.dma_semaphore, #tpu.memory_space<semaphore_mem>>)
      %slice3A_202 = vector.extract_strided_slice %get3A_34 {offsets = [3], sizes = [1], strides = [1]} : vector<16xi32> to vector<1xi32>
      %squeeze3A_203 = vector.extract %slice3A_202[0] : i32 from vector<1xi32>
      %dma_start3A_204 = arith.constant 64 : i32
      %dma_start3A_205 = tpu.memref_slice %arg14[%add3A_173, %dma_start3A_204] : memref<256x128xf32, #tpu.memory_space<vmem>> -> memref<1x64xf32, #tpu.memory_space<vmem>>
      %dma_start3A_206 = tpu.memref_squeeze %dma_start3A_205 : memref<1x64xf32, #tpu.memory_space<vmem>> -> memref<64xf32, #tpu.memory_space<vmem>>
      %dma_start3A_207 = arith.constant 0 : i32
      %dma_start3A_208 = tpu.memref_slice %arg6[%squeeze3A_203, %dma_start3A_207] : memref<1000x64xf32, #tpu.memory_space<hbm>> -> memref<1x64xf32, #tpu.memory_space<hbm>>
      %dma_start3A_209 = tpu.memref_squeeze %dma_start3A_208 : memref<1x64xf32, #tpu.memory_space<hbm>> -> memref<64xf32, #tpu.memory_space<hbm>>
      %dma_start3A_210 = arith.constant 64 : i32
      %dma_start3A_211 = tpu.memref_slice %arg14[%add3A_173, %dma_start3A_210] : memref<256x128xf32, #tpu.memory_space<vmem>> -> memref<1x64xf32, #tpu.memory_space<vmem>>
      %dma_start3A_212 = tpu.memref_squeeze %dma_start3A_211 : memref<1x64xf32, #tpu.memory_space<vmem>> -> memref<64xf32, #tpu.memory_space<vmem>>
      %dma_start3A_213 = arith.constant 0 : i32
      %dma_start3A_214 = tpu.memref_slice %arg6[%squeeze3A_203, %dma_start3A_213] : memref<1000x64xf32, #tpu.memory_space<hbm>> -> memref<1x64xf32, #tpu.memory_space<hbm>>
      %dma_start3A_215 = tpu.memref_squeeze %dma_start3A_214 : memref<1x64xf32, #tpu.memory_space<hbm>> -> memref<64xf32, #tpu.memory_space<hbm>>
      tpu.enqueue_dma source(%dma_start3A_215 : memref<64xf32, #tpu.memory_space<hbm>>) target(%dma_start3A_212 : memref<64xf32, #tpu.memory_space<vmem>>) target_semaphore(%arg16 : memref<!tpu.dma_semaphore, #tpu.memory_space<semaphore_mem>>)
      %mul3A_216 = arith.constant 8 : i32
      %mul3A_217 = arith.muli %scan3A_22, %mul3A_216 : i32
      %add3A_218 = arith.constant 2 : i32
      %add3A_219 = arith.addi %mul3A_217, %add3A_218 : i32
      %slice3A_220 = vector.extract_strided_slice %get3A_26 {offsets = [4], sizes = [1], strides = [1]} : vector<16xi32> to vector<1xi32>
      %squeeze3A_221 = vector.extract %slice3A_220[0] : i32 from vector<1xi32>
      %dma_start3A_222 = arith.constant 0 : i32
      %dma_start3A_223 = tpu.memref_slice %arg12[%add3A_219, %dma_start3A_222] : memref<256x128xf32, #tpu.memory_space<vmem>> -> memref<1x64xf32, #tpu.memory_space<vmem>>
      %dma_start3A_224 = tpu.memref_squeeze %dma_start3A_223 : memref<1x64xf32, #tpu.memory_space<vmem>> -> memref<64xf32, #tpu.memory_space<vmem>>
      %dma_start3A_225 = arith.constant 0 : i32
      %dma_start3A_226 = tpu.memref_slice %arg5[%squeeze3A_221, %dma_start3A_225] : memref<1000000x64xf32, #tpu.memory_space<hbm>> -> memref<1x64xf32, #tpu.memory_space<hbm>>
      %dma_start3A_227 = tpu.memref_squeeze %dma_start3A_226 : memref<1x64xf32, #tpu.memory_space<hbm>> -> memref<64xf32, #tpu.memory_space<hbm>>
      %dma_start3A_228 = arith.constant 0 : i32
      %dma_start3A_229 = tpu.memref_slice %arg12[%add3A_219, %dma_start3A_228] : memref<256x128xf32, #tpu.memory_space<vmem>> -> memref<1x64xf32, #tpu.memory_space<vmem>>
      %dma_start3A_230 = tpu.memref_squeeze %dma_start3A_229 : memref<1x64xf32, #tpu.memory_space<vmem>> -> memref<64xf32, #tpu.memory_space<vmem>>
      %dma_start3A_231 = arith.constant 0 : i32
      %dma_start3A_232 = tpu.memref_slice %arg5[%squeeze3A_221, %dma_start3A_231] : memref<1000000x64xf32, #tpu.memory_space<hbm>> -> memref<1x64xf32, #tpu.memory_space<hbm>>
      %dma_start3A_233 = tpu.memref_squeeze %dma_start3A_232 : memref<1x64xf32, #tpu.memory_space<hbm>> -> memref<64xf32, #tpu.memory_space<hbm>>
      tpu.enqueue_dma source(%dma_start3A_233 : memref<64xf32, #tpu.memory_space<hbm>>) target(%dma_start3A_230 : memref<64xf32, #tpu.memory_space<vmem>>) target_semaphore(%arg16 : memref<!tpu.dma_semaphore, #tpu.memory_space<semaphore_mem>>)
      %slice3A_234 = vector.extract_strided_slice %get3A_30 {offsets = [4], sizes = [1], strides = [1]} : vector<16xi32> to vector<1xi32>
      %squeeze3A_235 = vector.extract %slice3A_234[0] : i32 from vector<1xi32>
      %dma_start3A_236 = arith.constant 0 : i32
      %dma_start3A_237 = tpu.memref_slice %arg13[%add3A_219, %dma_start3A_236] : memref<256x128xf32, #tpu.memory_space<vmem>> -> memref<1x64xf32, #tpu.memory_space<vmem>>
      %dma_start3A_238 = tpu.memref_squeeze %dma_start3A_237 : memref<1x64xf32, #tpu.memory_space<vmem>> -> memref<64xf32, #tpu.memory_space<vmem>>
      %dma_start3A_239 = arith.constant 0 : i32
      %dma_start3A_240 = tpu.memref_slice %arg5[%squeeze3A_235, %dma_start3A_239] : memref<1000000x64xf32, #tpu.memory_space<hbm>> -> memref<1x64xf32, #tpu.memory_space<hbm>>
      %dma_start3A_241 = tpu.memref_squeeze %dma_start3A_240 : memref<1x64xf32, #tpu.memory_space<hbm>> -> memref<64xf32, #tpu.memory_space<hbm>>
      %dma_start3A_242 = arith.constant 0 : i32
      %dma_start3A_243 = tpu.memref_slice %arg13[%add3A_219, %dma_start3A_242] : memref<256x128xf32, #tpu.memory_space<vmem>> -> memref<1x64xf32, #tpu.memory_space<vmem>>
      %dma_start3A_244 = tpu.memref_squeeze %dma_start3A_243 : memref<1x64xf32, #tpu.memory_space<vmem>> -> memref<64xf32, #tpu.memory_space<vmem>>
      %dma_start3A_245 = arith.constant 0 : i32
      %dma_start3A_246 = tpu.memref_slice %arg5[%squeeze3A_235, %dma_start3A_245] : memref<1000000x64xf32, #tpu.memory_space<hbm>> -> memref<1x64xf32, #tpu.memory_space<hbm>>
      %dma_start3A_247 = tpu.memref_squeeze %dma_start3A_246 : memref<1x64xf32, #tpu.memory_space<hbm>> -> memref<64xf32, #tpu.memory_space<hbm>>
      tpu.enqueue_dma source(%dma_start3A_247 : memref<64xf32, #tpu.memory_space<hbm>>) target(%dma_start3A_244 : memref<64xf32, #tpu.memory_space<vmem>>) target_semaphore(%arg16 : memref<!tpu.dma_semaphore, #tpu.memory_space<semaphore_mem>>)
      %slice3A_248 = vector.extract_strided_slice %get3A_34 {offsets = [4], sizes = [1], strides = [1]} : vector<16xi32> to vector<1xi32>
      %squeeze3A_249 = vector.extract %slice3A_248[0] : i32 from vector<1xi32>
      %dma_start3A_250 = arith.constant 0 : i32
      %dma_start3A_251 = tpu.memref_slice %arg14[%add3A_219, %dma_start3A_250] : memref<256x128xf32, #tpu.memory_space<vmem>> -> memref<1x64xf32, #tpu.memory_space<vmem>>
      %dma_start3A_252 = tpu.memref_squeeze %dma_start3A_251 : memref<1x64xf32, #tpu.memory_space<vmem>> -> memref<64xf32, #tpu.memory_space<vmem>>
      %dma_start3A_253 = arith.constant 0 : i32
      %dma_start3A_254 = tpu.memref_slice %arg6[%squeeze3A_249, %dma_start3A_253] : memref<1000x64xf32, #tpu.memory_space<hbm>> -> memref<1x64xf32, #tpu.memory_space<hbm>>
      %dma_start3A_255 = tpu.memref_squeeze %dma_start3A_254 : memref<1x64xf32, #tpu.memory_space<hbm>> -> memref<64xf32, #tpu.memory_space<hbm>>
      %dma_start3A_256 = arith.constant 0 : i32
      %dma_start3A_257 = tpu.memref_slice %arg14[%add3A_219, %dma_start3A_256] : memref<256x128xf32, #tpu.memory_space<vmem>> -> memref<1x64xf32, #tpu.memory_space<vmem>>
      %dma_start3A_258 = tpu.memref_squeeze %dma_start3A_257 : memref<1x64xf32, #tpu.memory_space<vmem>> -> memref<64xf32, #tpu.memory_space<vmem>>
      %dma_start3A_259 = arith.constant 0 : i32
      %dma_start3A_260 = tpu.memref_slice %arg6[%squeeze3A_249, %dma_start3A_259] : memref<1000x64xf32, #tpu.memory_space<hbm>> -> memref<1x64xf32, #tpu.memory_space<hbm>>
      %dma_start3A_261 = tpu.memref_squeeze %dma_start3A_260 : memref<1x64xf32, #tpu.memory_space<hbm>> -> memref<64xf32, #tpu.memory_space<hbm>>
      tpu.enqueue_dma source(%dma_start3A_261 : memref<64xf32, #tpu.memory_space<hbm>>) target(%dma_start3A_258 : memref<64xf32, #tpu.memory_space<vmem>>) target_semaphore(%arg16 : memref<!tpu.dma_semaphore, #tpu.memory_space<semaphore_mem>>)
      %mul3A_262 = arith.constant 8 : i32
      %mul3A_263 = arith.muli %scan3A_22, %mul3A_262 : i32
      %add3A_264 = arith.constant 2 : i32
      %add3A_265 = arith.addi %mul3A_263, %add3A_264 : i32
      %slice3A_266 = vector.extract_strided_slice %get3A_26 {offsets = [5], sizes = [1], strides = [1]} : vector<16xi32> to vector<1xi32>
      %squeeze3A_267 = vector.extract %slice3A_266[0] : i32 from vector<1xi32>
      %dma_start3A_268 = arith.constant 64 : i32
      %dma_start3A_269 = tpu.memref_slice %arg12[%add3A_265, %dma_start3A_268] : memref<256x128xf32, #tpu.memory_space<vmem>> -> memref<1x64xf32, #tpu.memory_space<vmem>>
      %dma_start3A_270 = tpu.memref_squeeze %dma_start3A_269 : memref<1x64xf32, #tpu.memory_space<vmem>> -> memref<64xf32, #tpu.memory_space<vmem>>
      %dma_start3A_271 = arith.constant 0 : i32
      %dma_start3A_272 = tpu.memref_slice %arg5[%squeeze3A_267, %dma_start3A_271] : memref<1000000x64xf32, #tpu.memory_space<hbm>> -> memref<1x64xf32, #tpu.memory_space<hbm>>
      %dma_start3A_273 = tpu.memref_squeeze %dma_start3A_272 : memref<1x64xf32, #tpu.memory_space<hbm>> -> memref<64xf32, #tpu.memory_space<hbm>>
      %dma_start3A_274 = arith.constant 64 : i32
      %dma_start3A_275 = tpu.memref_slice %arg12[%add3A_265, %dma_start3A_274] : memref<256x128xf32, #tpu.memory_space<vmem>> -> memref<1x64xf32, #tpu.memory_space<vmem>>
      %dma_start3A_276 = tpu.memref_squeeze %dma_start3A_275 : memref<1x64xf32, #tpu.memory_space<vmem>> -> memref<64xf32, #tpu.memory_space<vmem>>
      %dma_start3A_277 = arith.constant 0 : i32
      %dma_start3A_278 = tpu.memref_slice %arg5[%squeeze3A_267, %dma_start3A_277] : memref<1000000x64xf32, #tpu.memory_space<hbm>> -> memref<1x64xf32, #tpu.memory_space<hbm>>
      %dma_start3A_279 = tpu.memref_squeeze %dma_start3A_278 : memref<1x64xf32, #tpu.memory_space<hbm>> -> memref<64xf32, #tpu.memory_space<hbm>>
      tpu.enqueue_dma source(%dma_start3A_279 : memref<64xf32, #tpu.memory_space<hbm>>) target(%dma_start3A_276 : memref<64xf32, #tpu.memory_space<vmem>>) target_semaphore(%arg16 : memref<!tpu.dma_semaphore, #tpu.memory_space<semaphore_mem>>)
      %slice3A_280 = vector.extract_strided_slice %get3A_30 {offsets = [5], sizes = [1], strides = [1]} : vector<16xi32> to vector<1xi32>
      %squeeze3A_281 = vector.extract %slice3A_280[0] : i32 from vector<1xi32>
      %dma_start3A_282 = arith.constant 64 : i32
      %dma_start3A_283 = tpu.memref_slice %arg13[%add3A_265, %dma_start3A_282] : memref<256x128xf32, #tpu.memory_space<vmem>> -> memref<1x64xf32, #tpu.memory_space<vmem>>
      %dma_start3A_284 = tpu.memref_squeeze %dma_start3A_283 : memref<1x64xf32, #tpu.memory_space<vmem>> -> memref<64xf32, #tpu.memory_space<vmem>>
      %dma_start3A_285 = arith.constant 0 : i32
      %dma_start3A_286 = tpu.memref_slice %arg5[%squeeze3A_281, %dma_start3A_285] : memref<1000000x64xf32, #tpu.memory_space<hbm>> -> memref<1x64xf32, #tpu.memory_space<hbm>>
      %dma_start3A_287 = tpu.memref_squeeze %dma_start3A_286 : memref<1x64xf32, #tpu.memory_space<hbm>> -> memref<64xf32, #tpu.memory_space<hbm>>
      %dma_start3A_288 = arith.constant 64 : i32
      %dma_start3A_289 = tpu.memref_slice %arg13[%add3A_265, %dma_start3A_288] : memref<256x128xf32, #tpu.memory_space<vmem>> -> memref<1x64xf32, #tpu.memory_space<vmem>>
      %dma_start3A_290 = tpu.memref_squeeze %dma_start3A_289 : memref<1x64xf32, #tpu.memory_space<vmem>> -> memref<64xf32, #tpu.memory_space<vmem>>
      %dma_start3A_291 = arith.constant 0 : i32
      %dma_start3A_292 = tpu.memref_slice %arg5[%squeeze3A_281, %dma_start3A_291] : memref<1000000x64xf32, #tpu.memory_space<hbm>> -> memref<1x64xf32, #tpu.memory_space<hbm>>
      %dma_start3A_293 = tpu.memref_squeeze %dma_start3A_292 : memref<1x64xf32, #tpu.memory_space<hbm>> -> memref<64xf32, #tpu.memory_space<hbm>>
      tpu.enqueue_dma source(%dma_start3A_293 : memref<64xf32, #tpu.memory_space<hbm>>) target(%dma_start3A_290 : memref<64xf32, #tpu.memory_space<vmem>>) target_semaphore(%arg16 : memref<!tpu.dma_semaphore, #tpu.memory_space<semaphore_mem>>)
      %slice3A_294 = vector.extract_strided_slice %get3A_34 {offsets = [5], sizes = [1], strides = [1]} : vector<16xi32> to vector<1xi32>
      %squeeze3A_295 = vector.extract %slice3A_294[0] : i32 from vector<1xi32>
      %dma_start3A_296 = arith.constant 64 : i32
      %dma_start3A_297 = tpu.memref_slice %arg14[%add3A_265, %dma_start3A_296] : memref<256x128xf32, #tpu.memory_space<vmem>> -> memref<1x64xf32, #tpu.memory_space<vmem>>
      %dma_start3A_298 = tpu.memref_squeeze %dma_start3A_297 : memref<1x64xf32, #tpu.memory_space<vmem>> -> memref<64xf32, #tpu.memory_space<vmem>>
      %dma_start3A_299 = arith.constant 0 : i32
      %dma_start3A_300 = tpu.memref_slice %arg6[%squeeze3A_295, %dma_start3A_299] : memref<1000x64xf32, #tpu.memory_space<hbm>> -> memref<1x64xf32, #tpu.memory_space<hbm>>
      %dma_start3A_301 = tpu.memref_squeeze %dma_start3A_300 : memref<1x64xf32, #tpu.memory_space<hbm>> -> memref<64xf32, #tpu.memory_space<hbm>>
      %dma_start3A_302 = arith.constant 64 : i32
      %dma_start3A_303 = tpu.memref_slice %arg14[%add3A_265, %dma_start3A_302] : memref<256x128xf32, #tpu.memory_space<vmem>> -> memref<1x64xf32, #tpu.memory_space<vmem>>
      %dma_start3A_304 = tpu.memref_squeeze %dma_start3A_303 : memref<1x64xf32, #tpu.memory_space<vmem>> -> memref<64xf32, #tpu.memory_space<vmem>>
      %dma_start3A_305 = arith.constant 0 : i32
      %dma_start3A_306 = tpu.memref_slice %arg6[%squeeze3A_295, %dma_start3A_305] : memref<1000x64xf32, #tpu.memory_space<hbm>> -> memref<1x64xf32, #tpu.memory_space<hbm>>
      %dma_start3A_307 = tpu.memref_squeeze %dma_start3A_306 : memref<1x64xf32, #tpu.memory_space<hbm>> -> memref<64xf32, #tpu.memory_space<hbm>>
      tpu.enqueue_dma source(%dma_start3A_307 : memref<64xf32, #tpu.memory_space<hbm>>) target(%dma_start3A_304 : memref<64xf32, #tpu.memory_space<vmem>>) target_semaphore(%arg16 : memref<!tpu.dma_semaphore, #tpu.memory_space<semaphore_mem>>)
      %mul3A_308 = arith.constant 8 : i32
      %mul3A_309 = arith.muli %scan3A_22, %mul3A_308 : i32
      %add3A_310 = arith.constant 3 : i32
      %add3A_311 = arith.addi %mul3A_309, %add3A_310 : i32
      %slice3A_312 = vector.extract_strided_slice %get3A_26 {offsets = [6], sizes = [1], strides = [1]} : vector<16xi32> to vector<1xi32>
      %squeeze3A_313 = vector.extract %slice3A_312[0] : i32 from vector<1xi32>
      %dma_start3A_314 = arith.constant 0 : i32
      %dma_start3A_315 = tpu.memref_slice %arg12[%add3A_311, %dma_start3A_314] : memref<256x128xf32, #tpu.memory_space<vmem>> -> memref<1x64xf32, #tpu.memory_space<vmem>>
      %dma_start3A_316 = tpu.memref_squeeze %dma_start3A_315 : memref<1x64xf32, #tpu.memory_space<vmem>> -> memref<64xf32, #tpu.memory_space<vmem>>
      %dma_start3A_317 = arith.constant 0 : i32
      %dma_start3A_318 = tpu.memref_slice %arg5[%squeeze3A_313, %dma_start3A_317] : memref<1000000x64xf32, #tpu.memory_space<hbm>> -> memref<1x64xf32, #tpu.memory_space<hbm>>
      %dma_start3A_319 = tpu.memref_squeeze %dma_start3A_318 : memref<1x64xf32, #tpu.memory_space<hbm>> -> memref<64xf32, #tpu.memory_space<hbm>>
      %dma_start3A_320 = arith.constant 0 : i32
      %dma_start3A_321 = tpu.memref_slice %arg12[%add3A_311, %dma_start3A_320] : memref<256x128xf32, #tpu.memory_space<vmem>> -> memref<1x64xf32, #tpu.memory_space<vmem>>
      %dma_start3A_322 = tpu.memref_squeeze %dma_start3A_321 : memref<1x64xf32, #tpu.memory_space<vmem>> -> memref<64xf32, #tpu.memory_space<vmem>>
      %dma_start3A_323 = arith.constant 0 : i32
      %dma_start3A_324 = tpu.memref_slice %arg5[%squeeze3A_313, %dma_start3A_323] : memref<1000000x64xf32, #tpu.memory_space<hbm>> -> memref<1x64xf32, #tpu.memory_space<hbm>>
      %dma_start3A_325 = tpu.memref_squeeze %dma_start3A_324 : memref<1x64xf32, #tpu.memory_space<hbm>> -> memref<64xf32, #tpu.memory_space<hbm>>
      tpu.enqueue_dma source(%dma_start3A_325 : memref<64xf32, #tpu.memory_space<hbm>>) target(%dma_start3A_322 : memref<64xf32, #tpu.memory_space<vmem>>) target_semaphore(%arg16 : memref<!tpu.dma_semaphore, #tpu.memory_space<semaphore_mem>>)
      %slice3A_326 = vector.extract_strided_slice %get3A_30 {offsets = [6], sizes = [1], strides = [1]} : vector<16xi32> to vector<1xi32>
      %squeeze3A_327 = vector.extract %slice3A_326[0] : i32 from vector<1xi32>
      %dma_start3A_328 = arith.constant 0 : i32
      %dma_start3A_329 = tpu.memref_slice %arg13[%add3A_311, %dma_start3A_328] : memref<256x128xf32, #tpu.memory_space<vmem>> -> memref<1x64xf32, #tpu.memory_space<vmem>>
      %dma_start3A_330 = tpu.memref_squeeze %dma_start3A_329 : memref<1x64xf32, #tpu.memory_space<vmem>> -> memref<64xf32, #tpu.memory_space<vmem>>
      %dma_start3A_331 = arith.constant 0 : i32
      %dma_start3A_332 = tpu.memref_slice %arg5[%squeeze3A_327, %dma_start3A_331] : memref<1000000x64xf32, #tpu.memory_space<hbm>> -> memref<1x64xf32, #tpu.memory_space<hbm>>
      %dma_start3A_333 = tpu.memref_squeeze %dma_start3A_332 : memref<1x64xf32, #tpu.memory_space<hbm>> -> memref<64xf32, #tpu.memory_space<hbm>>
      %dma_start3A_334 = arith.constant 0 : i32
      %dma_start3A_335 = tpu.memref_slice %arg13[%add3A_311, %dma_start3A_334] : memref<256x128xf32, #tpu.memory_space<vmem>> -> memref<1x64xf32, #tpu.memory_space<vmem>>
      %dma_start3A_336 = tpu.memref_squeeze %dma_start3A_335 : memref<1x64xf32, #tpu.memory_space<vmem>> -> memref<64xf32, #tpu.memory_space<vmem>>
      %dma_start3A_337 = arith.constant 0 : i32
      %dma_start3A_338 = tpu.memref_slice %arg5[%squeeze3A_327, %dma_start3A_337] : memref<1000000x64xf32, #tpu.memory_space<hbm>> -> memref<1x64xf32, #tpu.memory_space<hbm>>
      %dma_start3A_339 = tpu.memref_squeeze %dma_start3A_338 : memref<1x64xf32, #tpu.memory_space<hbm>> -> memref<64xf32, #tpu.memory_space<hbm>>
      tpu.enqueue_dma source(%dma_start3A_339 : memref<64xf32, #tpu.memory_space<hbm>>) target(%dma_start3A_336 : memref<64xf32, #tpu.memory_space<vmem>>) target_semaphore(%arg16 : memref<!tpu.dma_semaphore, #tpu.memory_space<semaphore_mem>>)
      %slice3A_340 = vector.extract_strided_slice %get3A_34 {offsets = [6], sizes = [1], strides = [1]} : vector<16xi32> to vector<1xi32>
      %squeeze3A_341 = vector.extract %slice3A_340[0] : i32 from vector<1xi32>
      %dma_start3A_342 = arith.constant 0 : i32
      %dma_start3A_343 = tpu.memref_slice %arg14[%add3A_311, %dma_start3A_342] : memref<256x128xf32, #tpu.memory_space<vmem>> -> memref<1x64xf32, #tpu.memory_space<vmem>>
      %dma_start3A_344 = tpu.memref_squeeze %dma_start3A_343 : memref<1x64xf32, #tpu.memory_space<vmem>> -> memref<64xf32, #tpu.memory_space<vmem>>
      %dma_start3A_345 = arith.constant 0 : i32
      %dma_start3A_346 = tpu.memref_slice %arg6[%squeeze3A_341, %dma_start3A_345] : memref<1000x64xf32, #tpu.memory_space<hbm>> -> memref<1x64xf32, #tpu.memory_space<hbm>>
      %dma_start3A_347 = tpu.memref_squeeze %dma_start3A_346 : memref<1x64xf32, #tpu.memory_space<hbm>> -> memref<64xf32, #tpu.memory_space<hbm>>
      %dma_start3A_348 = arith.constant 0 : i32
      %dma_start3A_349 = tpu.memref_slice %arg14[%add3A_311, %dma_start3A_348] : memref<256x128xf32, #tpu.memory_space<vmem>> -> memref<1x64xf32, #tpu.memory_space<vmem>>
      %dma_start3A_350 = tpu.memref_squeeze %dma_start3A_349 : memref<1x64xf32, #tpu.memory_space<vmem>> -> memref<64xf32, #tpu.memory_space<vmem>>
      %dma_start3A_351 = arith.constant 0 : i32
      %dma_start3A_352 = tpu.memref_slice %arg6[%squeeze3A_341, %dma_start3A_351] : memref<1000x64xf32, #tpu.memory_space<hbm>> -> memref<1x64xf32, #tpu.memory_space<hbm>>
      %dma_start3A_353 = tpu.memref_squeeze %dma_start3A_352 : memref<1x64xf32, #tpu.memory_space<hbm>> -> memref<64xf32, #tpu.memory_space<hbm>>
      tpu.enqueue_dma source(%dma_start3A_353 : memref<64xf32, #tpu.memory_space<hbm>>) target(%dma_start3A_350 : memref<64xf32, #tpu.memory_space<vmem>>) target_semaphore(%arg16 : memref<!tpu.dma_semaphore, #tpu.memory_space<semaphore_mem>>)
      %mul3A_354 = arith.constant 8 : i32
      %mul3A_355 = arith.muli %scan3A_22, %mul3A_354 : i32
      %add3A_356 = arith.constant 3 : i32
      %add3A_357 = arith.addi %mul3A_355, %add3A_356 : i32
      %slice3A_358 = vector.extract_strided_slice %get3A_26 {offsets = [7], sizes = [1], strides = [1]} : vector<16xi32> to vector<1xi32>
      %squeeze3A_359 = vector.extract %slice3A_358[0] : i32 from vector<1xi32>
      %dma_start3A_360 = arith.constant 64 : i32
      %dma_start3A_361 = tpu.memref_slice %arg12[%add3A_357, %dma_start3A_360] : memref<256x128xf32, #tpu.memory_space<vmem>> -> memref<1x64xf32, #tpu.memory_space<vmem>>
      %dma_start3A_362 = tpu.memref_squeeze %dma_start3A_361 : memref<1x64xf32, #tpu.memory_space<vmem>> -> memref<64xf32, #tpu.memory_space<vmem>>
      %dma_start3A_363 = arith.constant 0 : i32
      %dma_start3A_364 = tpu.memref_slice %arg5[%squeeze3A_359, %dma_start3A_363] : memref<1000000x64xf32, #tpu.memory_space<hbm>> -> memref<1x64xf32, #tpu.memory_space<hbm>>
      %dma_start3A_365 = tpu.memref_squeeze %dma_start3A_364 : memref<1x64xf32, #tpu.memory_space<hbm>> -> memref<64xf32, #tpu.memory_space<hbm>>
      %dma_start3A_366 = arith.constant 64 : i32
      %dma_start3A_367 = tpu.memref_slice %arg12[%add3A_357, %dma_start3A_366] : memref<256x128xf32, #tpu.memory_space<vmem>> -> memref<1x64xf32, #tpu.memory_space<vmem>>
      %dma_start3A_368 = tpu.memref_squeeze %dma_start3A_367 : memref<1x64xf32, #tpu.memory_space<vmem>> -> memref<64xf32, #tpu.memory_space<vmem>>
      %dma_start3A_369 = arith.constant 0 : i32
      %dma_start3A_370 = tpu.memref_slice %arg5[%squeeze3A_359, %dma_start3A_369] : memref<1000000x64xf32, #tpu.memory_space<hbm>> -> memref<1x64xf32, #tpu.memory_space<hbm>>
      %dma_start3A_371 = tpu.memref_squeeze %dma_start3A_370 : memref<1x64xf32, #tpu.memory_space<hbm>> -> memref<64xf32, #tpu.memory_space<hbm>>
      tpu.enqueue_dma source(%dma_start3A_371 : memref<64xf32, #tpu.memory_space<hbm>>) target(%dma_start3A_368 : memref<64xf32, #tpu.memory_space<vmem>>) target_semaphore(%arg16 : memref<!tpu.dma_semaphore, #tpu.memory_space<semaphore_mem>>)
      %slice3A_372 = vector.extract_strided_slice %get3A_30 {offsets = [7], sizes = [1], strides = [1]} : vector<16xi32> to vector<1xi32>
      %squeeze3A_373 = vector.extract %slice3A_372[0] : i32 from vector<1xi32>
      %dma_start3A_374 = arith.constant 64 : i32
      %dma_start3A_375 = tpu.memref_slice %arg13[%add3A_357, %dma_start3A_374] : memref<256x128xf32, #tpu.memory_space<vmem>> -> memref<1x64xf32, #tpu.memory_space<vmem>>
      %dma_start3A_376 = tpu.memref_squeeze %dma_start3A_375 : memref<1x64xf32, #tpu.memory_space<vmem>> -> memref<64xf32, #tpu.memory_space<vmem>>
      %dma_start3A_377 = arith.constant 0 : i32
      %dma_start3A_378 = tpu.memref_slice %arg5[%squeeze3A_373, %dma_start3A_377] : memref<1000000x64xf32, #tpu.memory_space<hbm>> -> memref<1x64xf32, #tpu.memory_space<hbm>>
      %dma_start3A_379 = tpu.memref_squeeze %dma_start3A_378 : memref<1x64xf32, #tpu.memory_space<hbm>> -> memref<64xf32, #tpu.memory_space<hbm>>
      %dma_start3A_380 = arith.constant 64 : i32
      %dma_start3A_381 = tpu.memref_slice %arg13[%add3A_357, %dma_start3A_380] : memref<256x128xf32, #tpu.memory_space<vmem>> -> memref<1x64xf32, #tpu.memory_space<vmem>>
      %dma_start3A_382 = tpu.memref_squeeze %dma_start3A_381 : memref<1x64xf32, #tpu.memory_space<vmem>> -> memref<64xf32, #tpu.memory_space<vmem>>
      %dma_start3A_383 = arith.constant 0 : i32
      %dma_start3A_384 = tpu.memref_slice %arg5[%squeeze3A_373, %dma_start3A_383] : memref<1000000x64xf32, #tpu.memory_space<hbm>> -> memref<1x64xf32, #tpu.memory_space<hbm>>
      %dma_start3A_385 = tpu.memref_squeeze %dma_start3A_384 : memref<1x64xf32, #tpu.memory_space<hbm>> -> memref<64xf32, #tpu.memory_space<hbm>>
      tpu.enqueue_dma source(%dma_start3A_385 : memref<64xf32, #tpu.memory_space<hbm>>) target(%dma_start3A_382 : memref<64xf32, #tpu.memory_space<vmem>>) target_semaphore(%arg16 : memref<!tpu.dma_semaphore, #tpu.memory_space<semaphore_mem>>)
      %slice3A_386 = vector.extract_strided_slice %get3A_34 {offsets = [7], sizes = [1], strides = [1]} : vector<16xi32> to vector<1xi32>
      %squeeze3A_387 = vector.extract %slice3A_386[0] : i32 from vector<1xi32>
      %dma_start3A_388 = arith.constant 64 : i32
      %dma_start3A_389 = tpu.memref_slice %arg14[%add3A_357, %dma_start3A_388] : memref<256x128xf32, #tpu.memory_space<vmem>> -> memref<1x64xf32, #tpu.memory_space<vmem>>
      %dma_start3A_390 = tpu.memref_squeeze %dma_start3A_389 : memref<1x64xf32, #tpu.memory_space<vmem>> -> memref<64xf32, #tpu.memory_space<vmem>>
      %dma_start3A_391 = arith.constant 0 : i32
      %dma_start3A_392 = tpu.memref_slice %arg6[%squeeze3A_387, %dma_start3A_391] : memref<1000x64xf32, #tpu.memory_space<hbm>> -> memref<1x64xf32, #tpu.memory_space<hbm>>
      %dma_start3A_393 = tpu.memref_squeeze %dma_start3A_392 : memref<1x64xf32, #tpu.memory_space<hbm>> -> memref<64xf32, #tpu.memory_space<hbm>>
      %dma_start3A_394 = arith.constant 64 : i32
      %dma_start3A_395 = tpu.memref_slice %arg14[%add3A_357, %dma_start3A_394] : memref<256x128xf32, #tpu.memory_space<vmem>> -> memref<1x64xf32, #tpu.memory_space<vmem>>
      %dma_start3A_396 = tpu.memref_squeeze %dma_start3A_395 : memref<1x64xf32, #tpu.memory_space<vmem>> -> memref<64xf32, #tpu.memory_space<vmem>>
      %dma_start3A_397 = arith.constant 0 : i32
      %dma_start3A_398 = tpu.memref_slice %arg6[%squeeze3A_387, %dma_start3A_397] : memref<1000x64xf32, #tpu.memory_space<hbm>> -> memref<1x64xf32, #tpu.memory_space<hbm>>
      %dma_start3A_399 = tpu.memref_squeeze %dma_start3A_398 : memref<1x64xf32, #tpu.memory_space<hbm>> -> memref<64xf32, #tpu.memory_space<hbm>>
      tpu.enqueue_dma source(%dma_start3A_399 : memref<64xf32, #tpu.memory_space<hbm>>) target(%dma_start3A_396 : memref<64xf32, #tpu.memory_space<vmem>>) target_semaphore(%arg16 : memref<!tpu.dma_semaphore, #tpu.memory_space<semaphore_mem>>)
      %mul3A_400 = arith.constant 8 : i32
      %mul3A_401 = arith.muli %scan3A_22, %mul3A_400 : i32
      %add3A_402 = arith.constant 4 : i32
      %add3A_403 = arith.addi %mul3A_401, %add3A_402 : i32
      %slice3A_404 = vector.extract_strided_slice %get3A_26 {offsets = [8], sizes = [1], strides = [1]} : vector<16xi32> to vector<1xi32>
      %squeeze3A_405 = vector.extract %slice3A_404[0] : i32 from vector<1xi32>
      %dma_start3A_406 = arith.constant 0 : i32
      %dma_start3A_407 = tpu.memref_slice %arg12[%add3A_403, %dma_start3A_406] : memref<256x128xf32, #tpu.memory_space<vmem>> -> memref<1x64xf32, #tpu.memory_space<vmem>>
      %dma_start3A_408 = tpu.memref_squeeze %dma_start3A_407 : memref<1x64xf32, #tpu.memory_space<vmem>> -> memref<64xf32, #tpu.memory_space<vmem>>
      %dma_start3A_409 = arith.constant 0 : i32
      %dma_start3A_410 = tpu.memref_slice %arg5[%squeeze3A_405, %dma_start3A_409] : memref<1000000x64xf32, #tpu.memory_space<hbm>> -> memref<1x64xf32, #tpu.memory_space<hbm>>
      %dma_start3A_411 = tpu.memref_squeeze %dma_start3A_410 : memref<1x64xf32, #tpu.memory_space<hbm>> -> memref<64xf32, #tpu.memory_space<hbm>>
      %dma_start3A_412 = arith.constant 0 : i32
      %dma_start3A_413 = tpu.memref_slice %arg12[%add3A_403, %dma_start3A_412] : memref<256x128xf32, #tpu.memory_space<vmem>> -> memref<1x64xf32, #tpu.memory_space<vmem>>
      %dma_start3A_414 = tpu.memref_squeeze %dma_start3A_413 : memref<1x64xf32, #tpu.memory_space<vmem>> -> memref<64xf32, #tpu.memory_space<vmem>>
      %dma_start3A_415 = arith.constant 0 : i32
      %dma_start3A_416 = tpu.memref_slice %arg5[%squeeze3A_405, %dma_start3A_415] : memref<1000000x64xf32, #tpu.memory_space<hbm>> -> memref<1x64xf32, #tpu.memory_space<hbm>>
      %dma_start3A_417 = tpu.memref_squeeze %dma_start3A_416 : memref<1x64xf32, #tpu.memory_space<hbm>> -> memref<64xf32, #tpu.memory_space<hbm>>
      tpu.enqueue_dma source(%dma_start3A_417 : memref<64xf32, #tpu.memory_space<hbm>>) target(%dma_start3A_414 : memref<64xf32, #tpu.memory_space<vmem>>) target_semaphore(%arg16 : memref<!tpu.dma_semaphore, #tpu.memory_space<semaphore_mem>>)
      %slice3A_418 = vector.extract_strided_slice %get3A_30 {offsets = [8], sizes = [1], strides = [1]} : vector<16xi32> to vector<1xi32>
      %squeeze3A_419 = vector.extract %slice3A_418[0] : i32 from vector<1xi32>
      %dma_start3A_420 = arith.constant 0 : i32
      %dma_start3A_421 = tpu.memref_slice %arg13[%add3A_403, %dma_start3A_420] : memref<256x128xf32, #tpu.memory_space<vmem>> -> memref<1x64xf32, #tpu.memory_space<vmem>>
      %dma_start3A_422 = tpu.memref_squeeze %dma_start3A_421 : memref<1x64xf32, #tpu.memory_space<vmem>> -> memref<64xf32, #tpu.memory_space<vmem>>
      %dma_start3A_423 = arith.constant 0 : i32
      %dma_start3A_424 = tpu.memref_slice %arg5[%squeeze3A_419, %dma_start3A_423] : memref<1000000x64xf32, #tpu.memory_space<hbm>> -> memref<1x64xf32, #tpu.memory_space<hbm>>
      %dma_start3A_425 = tpu.memref_squeeze %dma_start3A_424 : memref<1x64xf32, #tpu.memory_space<hbm>> -> memref<64xf32, #tpu.memory_space<hbm>>
      %dma_start3A_426 = arith.constant 0 : i32
      %dma_start3A_427 = tpu.memref_slice %arg13[%add3A_403, %dma_start3A_426] : memref<256x128xf32, #tpu.memory_space<vmem>> -> memref<1x64xf32, #tpu.memory_space<vmem>>
      %dma_start3A_428 = tpu.memref_squeeze %dma_start3A_427 : memref<1x64xf32, #tpu.memory_space<vmem>> -> memref<64xf32, #tpu.memory_space<vmem>>
      %dma_start3A_429 = arith.constant 0 : i32
      %dma_start3A_430 = tpu.memref_slice %arg5[%squeeze3A_419, %dma_start3A_429] : memref<1000000x64xf32, #tpu.memory_space<hbm>> -> memref<1x64xf32, #tpu.memory_space<hbm>>
      %dma_start3A_431 = tpu.memref_squeeze %dma_start3A_430 : memref<1x64xf32, #tpu.memory_space<hbm>> -> memref<64xf32, #tpu.memory_space<hbm>>
      tpu.enqueue_dma source(%dma_start3A_431 : memref<64xf32, #tpu.memory_space<hbm>>) target(%dma_start3A_428 : memref<64xf32, #tpu.memory_space<vmem>>) target_semaphore(%arg16 : memref<!tpu.dma_semaphore, #tpu.memory_space<semaphore_mem>>)
      %slice3A_432 = vector.extract_strided_slice %get3A_34 {offsets = [8], sizes = [1], strides = [1]} : vector<16xi32> to vector<1xi32>
      %squeeze3A_433 = vector.extract %slice3A_432[0] : i32 from vector<1xi32>
      %dma_start3A_434 = arith.constant 0 : i32
      %dma_start3A_435 = tpu.memref_slice %arg14[%add3A_403, %dma_start3A_434] : memref<256x128xf32, #tpu.memory_space<vmem>> -> memref<1x64xf32, #tpu.memory_space<vmem>>
      %dma_start3A_436 = tpu.memref_squeeze %dma_start3A_435 : memref<1x64xf32, #tpu.memory_space<vmem>> -> memref<64xf32, #tpu.memory_space<vmem>>
      %dma_start3A_437 = arith.constant 0 : i32
      %dma_start3A_438 = tpu.memref_slice %arg6[%squeeze3A_433, %dma_start3A_437] : memref<1000x64xf32, #tpu.memory_space<hbm>> -> memref<1x64xf32, #tpu.memory_space<hbm>>
      %dma_start3A_439 = tpu.memref_squeeze %dma_start3A_438 : memref<1x64xf32, #tpu.memory_space<hbm>> -> memref<64xf32, #tpu.memory_space<hbm>>
      %dma_start3A_440 = arith.constant 0 : i32
      %dma_start3A_441 = tpu.memref_slice %arg14[%add3A_403, %dma_start3A_440] : memref<256x128xf32, #tpu.memory_space<vmem>> -> memref<1x64xf32, #tpu.memory_space<vmem>>
      %dma_start3A_442 = tpu.memref_squeeze %dma_start3A_441 : memref<1x64xf32, #tpu.memory_space<vmem>> -> memref<64xf32, #tpu.memory_space<vmem>>
      %dma_start3A_443 = arith.constant 0 : i32
      %dma_start3A_444 = tpu.memref_slice %arg6[%squeeze3A_433, %dma_start3A_443] : memref<1000x64xf32, #tpu.memory_space<hbm>> -> memref<1x64xf32, #tpu.memory_space<hbm>>
      %dma_start3A_445 = tpu.memref_squeeze %dma_start3A_444 : memref<1x64xf32, #tpu.memory_space<hbm>> -> memref<64xf32, #tpu.memory_space<hbm>>
      tpu.enqueue_dma source(%dma_start3A_445 : memref<64xf32, #tpu.memory_space<hbm>>) target(%dma_start3A_442 : memref<64xf32, #tpu.memory_space<vmem>>) target_semaphore(%arg16 : memref<!tpu.dma_semaphore, #tpu.memory_space<semaphore_mem>>)
      %mul3A_446 = arith.constant 8 : i32
      %mul3A_447 = arith.muli %scan3A_22, %mul3A_446 : i32
      %add3A_448 = arith.constant 4 : i32
      %add3A_449 = arith.addi %mul3A_447, %add3A_448 : i32
      %slice3A_450 = vector.extract_strided_slice %get3A_26 {offsets = [9], sizes = [1], strides = [1]} : vector<16xi32> to vector<1xi32>
      %squeeze3A_451 = vector.extract %slice3A_450[0] : i32 from vector<1xi32>
      %dma_start3A_452 = arith.constant 64 : i32
      %dma_start3A_453 = tpu.memref_slice %arg12[%add3A_449, %dma_start3A_452] : memref<256x128xf32, #tpu.memory_space<vmem>> -> memref<1x64xf32, #tpu.memory_space<vmem>>
      %dma_start3A_454 = tpu.memref_squeeze %dma_start3A_453 : memref<1x64xf32, #tpu.memory_space<vmem>> -> memref<64xf32, #tpu.memory_space<vmem>>
      %dma_start3A_455 = arith.constant 0 : i32
      %dma_start3A_456 = tpu.memref_slice %arg5[%squeeze3A_451, %dma_start3A_455] : memref<1000000x64xf32, #tpu.memory_space<hbm>> -> memref<1x64xf32, #tpu.memory_space<hbm>>
      %dma_start3A_457 = tpu.memref_squeeze %dma_start3A_456 : memref<1x64xf32, #tpu.memory_space<hbm>> -> memref<64xf32, #tpu.memory_space<hbm>>
      %dma_start3A_458 = arith.constant 64 : i32
      %dma_start3A_459 = tpu.memref_slice %arg12[%add3A_449, %dma_start3A_458] : memref<256x128xf32, #tpu.memory_space<vmem>> -> memref<1x64xf32, #tpu.memory_space<vmem>>
      %dma_start3A_460 = tpu.memref_squeeze %dma_start3A_459 : memref<1x64xf32, #tpu.memory_space<vmem>> -> memref<64xf32, #tpu.memory_space<vmem>>
      %dma_start3A_461 = arith.constant 0 : i32
      %dma_start3A_462 = tpu.memref_slice %arg5[%squeeze3A_451, %dma_start3A_461] : memref<1000000x64xf32, #tpu.memory_space<hbm>> -> memref<1x64xf32, #tpu.memory_space<hbm>>
      %dma_start3A_463 = tpu.memref_squeeze %dma_start3A_462 : memref<1x64xf32, #tpu.memory_space<hbm>> -> memref<64xf32, #tpu.memory_space<hbm>>
      tpu.enqueue_dma source(%dma_start3A_463 : memref<64xf32, #tpu.memory_space<hbm>>) target(%dma_start3A_460 : memref<64xf32, #tpu.memory_space<vmem>>) target_semaphore(%arg16 : memref<!tpu.dma_semaphore, #tpu.memory_space<semaphore_mem>>)
      %slice3A_464 = vector.extract_strided_slice %get3A_30 {offsets = [9], sizes = [1], strides = [1]} : vector<16xi32> to vector<1xi32>
      %squeeze3A_465 = vector.extract %slice3A_464[0] : i32 from vector<1xi32>
      %dma_start3A_466 = arith.constant 64 : i32
      %dma_start3A_467 = tpu.memref_slice %arg13[%add3A_449, %dma_start3A_466] : memref<256x128xf32, #tpu.memory_space<vmem>> -> memref<1x64xf32, #tpu.memory_space<vmem>>
      %dma_start3A_468 = tpu.memref_squeeze %dma_start3A_467 : memref<1x64xf32, #tpu.memory_space<vmem>> -> memref<64xf32, #tpu.memory_space<vmem>>
      %dma_start3A_469 = arith.constant 0 : i32
      %dma_start3A_470 = tpu.memref_slice %arg5[%squeeze3A_465, %dma_start3A_469] : memref<1000000x64xf32, #tpu.memory_space<hbm>> -> memref<1x64xf32, #tpu.memory_space<hbm>>
      %dma_start3A_471 = tpu.memref_squeeze %dma_start3A_470 : memref<1x64xf32, #tpu.memory_space<hbm>> -> memref<64xf32, #tpu.memory_space<hbm>>
      %dma_start3A_472 = arith.constant 64 : i32
      %dma_start3A_473 = tpu.memref_slice %arg13[%add3A_449, %dma_start3A_472] : memref<256x128xf32, #tpu.memory_space<vmem>> -> memref<1x64xf32, #tpu.memory_space<vmem>>
      %dma_start3A_474 = tpu.memref_squeeze %dma_start3A_473 : memref<1x64xf32, #tpu.memory_space<vmem>> -> memref<64xf32, #tpu.memory_space<vmem>>
      %dma_start3A_475 = arith.constant 0 : i32
      %dma_start3A_476 = tpu.memref_slice %arg5[%squeeze3A_465, %dma_start3A_475] : memref<1000000x64xf32, #tpu.memory_space<hbm>> -> memref<1x64xf32, #tpu.memory_space<hbm>>
      %dma_start3A_477 = tpu.memref_squeeze %dma_start3A_476 : memref<1x64xf32, #tpu.memory_space<hbm>> -> memref<64xf32, #tpu.memory_space<hbm>>
      tpu.enqueue_dma source(%dma_start3A_477 : memref<64xf32, #tpu.memory_space<hbm>>) target(%dma_start3A_474 : memref<64xf32, #tpu.memory_space<vmem>>) target_semaphore(%arg16 : memref<!tpu.dma_semaphore, #tpu.memory_space<semaphore_mem>>)
      %slice3A_478 = vector.extract_strided_slice %get3A_34 {offsets = [9], sizes = [1], strides = [1]} : vector<16xi32> to vector<1xi32>
      %squeeze3A_479 = vector.extract %slice3A_478[0] : i32 from vector<1xi32>
      %dma_start3A_480 = arith.constant 64 : i32
      %dma_start3A_481 = tpu.memref_slice %arg14[%add3A_449, %dma_start3A_480] : memref<256x128xf32, #tpu.memory_space<vmem>> -> memref<1x64xf32, #tpu.memory_space<vmem>>
      %dma_start3A_482 = tpu.memref_squeeze %dma_start3A_481 : memref<1x64xf32, #tpu.memory_space<vmem>> -> memref<64xf32, #tpu.memory_space<vmem>>
      %dma_start3A_483 = arith.constant 0 : i32
      %dma_start3A_484 = tpu.memref_slice %arg6[%squeeze3A_479, %dma_start3A_483] : memref<1000x64xf32, #tpu.memory_space<hbm>> -> memref<1x64xf32, #tpu.memory_space<hbm>>
      %dma_start3A_485 = tpu.memref_squeeze %dma_start3A_484 : memref<1x64xf32, #tpu.memory_space<hbm>> -> memref<64xf32, #tpu.memory_space<hbm>>
      %dma_start3A_486 = arith.constant 64 : i32
      %dma_start3A_487 = tpu.memref_slice %arg14[%add3A_449, %dma_start3A_486] : memref<256x128xf32, #tpu.memory_space<vmem>> -> memref<1x64xf32, #tpu.memory_space<vmem>>
      %dma_start3A_488 = tpu.memref_squeeze %dma_start3A_487 : memref<1x64xf32, #tpu.memory_space<vmem>> -> memref<64xf32, #tpu.memory_space<vmem>>
      %dma_start3A_489 = arith.constant 0 : i32
      %dma_start3A_490 = tpu.memref_slice %arg6[%squeeze3A_479, %dma_start3A_489] : memref<1000x64xf32, #tpu.memory_space<hbm>> -> memref<1x64xf32, #tpu.memory_space<hbm>>
      %dma_start3A_491 = tpu.memref_squeeze %dma_start3A_490 : memref<1x64xf32, #tpu.memory_space<hbm>> -> memref<64xf32, #tpu.memory_space<hbm>>
      tpu.enqueue_dma source(%dma_start3A_491 : memref<64xf32, #tpu.memory_space<hbm>>) target(%dma_start3A_488 : memref<64xf32, #tpu.memory_space<vmem>>) target_semaphore(%arg16 : memref<!tpu.dma_semaphore, #tpu.memory_space<semaphore_mem>>)
      %mul3A_492 = arith.constant 8 : i32
      %mul3A_493 = arith.muli %scan3A_22, %mul3A_492 : i32
      %add3A_494 = arith.constant 5 : i32
      %add3A_495 = arith.addi %mul3A_493, %add3A_494 : i32
      %slice3A_496 = vector.extract_strided_slice %get3A_26 {offsets = [10], sizes = [1], strides = [1]} : vector<16xi32> to vector<1xi32>
      %squeeze3A_497 = vector.extract %slice3A_496[0] : i32 from vector<1xi32>
      %dma_start3A_498 = arith.constant 0 : i32
      %dma_start3A_499 = tpu.memref_slice %arg12[%add3A_495, %dma_start3A_498] : memref<256x128xf32, #tpu.memory_space<vmem>> -> memref<1x64xf32, #tpu.memory_space<vmem>>
      %dma_start3A_500 = tpu.memref_squeeze %dma_start3A_499 : memref<1x64xf32, #tpu.memory_space<vmem>> -> memref<64xf32, #tpu.memory_space<vmem>>
      %dma_start3A_501 = arith.constant 0 : i32
      %dma_start3A_502 = tpu.memref_slice %arg5[%squeeze3A_497, %dma_start3A_501] : memref<1000000x64xf32, #tpu.memory_space<hbm>> -> memref<1x64xf32, #tpu.memory_space<hbm>>
      %dma_start3A_503 = tpu.memref_squeeze %dma_start3A_502 : memref<1x64xf32, #tpu.memory_space<hbm>> -> memref<64xf32, #tpu.memory_space<hbm>>
      %dma_start3A_504 = arith.constant 0 : i32
      %dma_start3A_505 = tpu.memref_slice %arg12[%add3A_495, %dma_start3A_504] : memref<256x128xf32, #tpu.memory_space<vmem>> -> memref<1x64xf32, #tpu.memory_space<vmem>>
      %dma_start3A_506 = tpu.memref_squeeze %dma_start3A_505 : memref<1x64xf32, #tpu.memory_space<vmem>> -> memref<64xf32, #tpu.memory_space<vmem>>
      %dma_start3A_507 = arith.constant 0 : i32
      %dma_start3A_508 = tpu.memref_slice %arg5[%squeeze3A_497, %dma_start3A_507] : memref<1000000x64xf32, #tpu.memory_space<hbm>> -> memref<1x64xf32, #tpu.memory_space<hbm>>
      %dma_start3A_509 = tpu.memref_squeeze %dma_start3A_508 : memref<1x64xf32, #tpu.memory_space<hbm>> -> memref<64xf32, #tpu.memory_space<hbm>>
      tpu.enqueue_dma source(%dma_start3A_509 : memref<64xf32, #tpu.memory_space<hbm>>) target(%dma_start3A_506 : memref<64xf32, #tpu.memory_space<vmem>>) target_semaphore(%arg16 : memref<!tpu.dma_semaphore, #tpu.memory_space<semaphore_mem>>)
      %slice3A_510 = vector.extract_strided_slice %get3A_30 {offsets = [10], sizes = [1], strides = [1]} : vector<16xi32> to vector<1xi32>
      %squeeze3A_511 = vector.extract %slice3A_510[0] : i32 from vector<1xi32>
      %dma_start3A_512 = arith.constant 0 : i32
      %dma_start3A_513 = tpu.memref_slice %arg13[%add3A_495, %dma_start3A_512] : memref<256x128xf32, #tpu.memory_space<vmem>> -> memref<1x64xf32, #tpu.memory_space<vmem>>
      %dma_start3A_514 = tpu.memref_squeeze %dma_start3A_513 : memref<1x64xf32, #tpu.memory_space<vmem>> -> memref<64xf32, #tpu.memory_space<vmem>>
      %dma_start3A_515 = arith.constant 0 : i32
      %dma_start3A_516 = tpu.memref_slice %arg5[%squeeze3A_511, %dma_start3A_515] : memref<1000000x64xf32, #tpu.memory_space<hbm>> -> memref<1x64xf32, #tpu.memory_space<hbm>>
      %dma_start3A_517 = tpu.memref_squeeze %dma_start3A_516 : memref<1x64xf32, #tpu.memory_space<hbm>> -> memref<64xf32, #tpu.memory_space<hbm>>
      %dma_start3A_518 = arith.constant 0 : i32
      %dma_start3A_519 = tpu.memref_slice %arg13[%add3A_495, %dma_start3A_518] : memref<256x128xf32, #tpu.memory_space<vmem>> -> memref<1x64xf32, #tpu.memory_space<vmem>>
      %dma_start3A_520 = tpu.memref_squeeze %dma_start3A_519 : memref<1x64xf32, #tpu.memory_space<vmem>> -> memref<64xf32, #tpu.memory_space<vmem>>
      %dma_start3A_521 = arith.constant 0 : i32
      %dma_start3A_522 = tpu.memref_slice %arg5[%squeeze3A_511, %dma_start3A_521] : memref<1000000x64xf32, #tpu.memory_space<hbm>> -> memref<1x64xf32, #tpu.memory_space<hbm>>
      %dma_start3A_523 = tpu.memref_squeeze %dma_start3A_522 : memref<1x64xf32, #tpu.memory_space<hbm>> -> memref<64xf32, #tpu.memory_space<hbm>>
      tpu.enqueue_dma source(%dma_start3A_523 : memref<64xf32, #tpu.memory_space<hbm>>) target(%dma_start3A_520 : memref<64xf32, #tpu.memory_space<vmem>>) target_semaphore(%arg16 : memref<!tpu.dma_semaphore, #tpu.memory_space<semaphore_mem>>)
      %slice3A_524 = vector.extract_strided_slice %get3A_34 {offsets = [10], sizes = [1], strides = [1]} : vector<16xi32> to vector<1xi32>
      %squeeze3A_525 = vector.extract %slice3A_524[0] : i32 from vector<1xi32>
      %dma_start3A_526 = arith.constant 0 : i32
      %dma_start3A_527 = tpu.memref_slice %arg14[%add3A_495, %dma_start3A_526] : memref<256x128xf32, #tpu.memory_space<vmem>> -> memref<1x64xf32, #tpu.memory_space<vmem>>
      %dma_start3A_528 = tpu.memref_squeeze %dma_start3A_527 : memref<1x64xf32, #tpu.memory_space<vmem>> -> memref<64xf32, #tpu.memory_space<vmem>>
      %dma_start3A_529 = arith.constant 0 : i32
      %dma_start3A_530 = tpu.memref_slice %arg6[%squeeze3A_525, %dma_start3A_529] : memref<1000x64xf32, #tpu.memory_space<hbm>> -> memref<1x64xf32, #tpu.memory_space<hbm>>
      %dma_start3A_531 = tpu.memref_squeeze %dma_start3A_530 : memref<1x64xf32, #tpu.memory_space<hbm>> -> memref<64xf32, #tpu.memory_space<hbm>>
      %dma_start3A_532 = arith.constant 0 : i32
      %dma_start3A_533 = tpu.memref_slice %arg14[%add3A_495, %dma_start3A_532] : memref<256x128xf32, #tpu.memory_space<vmem>> -> memref<1x64xf32, #tpu.memory_space<vmem>>
      %dma_start3A_534 = tpu.memref_squeeze %dma_start3A_533 : memref<1x64xf32, #tpu.memory_space<vmem>> -> memref<64xf32, #tpu.memory_space<vmem>>
      %dma_start3A_535 = arith.constant 0 : i32
      %dma_start3A_536 = tpu.memref_slice %arg6[%squeeze3A_525, %dma_start3A_535] : memref<1000x64xf32, #tpu.memory_space<hbm>> -> memref<1x64xf32, #tpu.memory_space<hbm>>
      %dma_start3A_537 = tpu.memref_squeeze %dma_start3A_536 : memref<1x64xf32, #tpu.memory_space<hbm>> -> memref<64xf32, #tpu.memory_space<hbm>>
      tpu.enqueue_dma source(%dma_start3A_537 : memref<64xf32, #tpu.memory_space<hbm>>) target(%dma_start3A_534 : memref<64xf32, #tpu.memory_space<vmem>>) target_semaphore(%arg16 : memref<!tpu.dma_semaphore, #tpu.memory_space<semaphore_mem>>)
      %mul3A_538 = arith.constant 8 : i32
      %mul3A_539 = arith.muli %scan3A_22, %mul3A_538 : i32
      %add3A_540 = arith.constant 5 : i32
      %add3A_541 = arith.addi %mul3A_539, %add3A_540 : i32
      %slice3A_542 = vector.extract_strided_slice %get3A_26 {offsets = [11], sizes = [1], strides = [1]} : vector<16xi32> to vector<1xi32>
      %squeeze3A_543 = vector.extract %slice3A_542[0] : i32 from vector<1xi32>
      %dma_start3A_544 = arith.constant 64 : i32
      %dma_start3A_545 = tpu.memref_slice %arg12[%add3A_541, %dma_start3A_544] : memref<256x128xf32, #tpu.memory_space<vmem>> -> memref<1x64xf32, #tpu.memory_space<vmem>>
      %dma_start3A_546 = tpu.memref_squeeze %dma_start3A_545 : memref<1x64xf32, #tpu.memory_space<vmem>> -> memref<64xf32, #tpu.memory_space<vmem>>
      %dma_start3A_547 = arith.constant 0 : i32
      %dma_start3A_548 = tpu.memref_slice %arg5[%squeeze3A_543, %dma_start3A_547] : memref<1000000x64xf32, #tpu.memory_space<hbm>> -> memref<1x64xf32, #tpu.memory_space<hbm>>
      %dma_start3A_549 = tpu.memref_squeeze %dma_start3A_548 : memref<1x64xf32, #tpu.memory_space<hbm>> -> memref<64xf32, #tpu.memory_space<hbm>>
      %dma_start3A_550 = arith.constant 64 : i32
      %dma_start3A_551 = tpu.memref_slice %arg12[%add3A_541, %dma_start3A_550] : memref<256x128xf32, #tpu.memory_space<vmem>> -> memref<1x64xf32, #tpu.memory_space<vmem>>
      %dma_start3A_552 = tpu.memref_squeeze %dma_start3A_551 : memref<1x64xf32, #tpu.memory_space<vmem>> -> memref<64xf32, #tpu.memory_space<vmem>>
      %dma_start3A_553 = arith.constant 0 : i32
      %dma_start3A_554 = tpu.memref_slice %arg5[%squeeze3A_543, %dma_start3A_553] : memref<1000000x64xf32, #tpu.memory_space<hbm>> -> memref<1x64xf32, #tpu.memory_space<hbm>>
      %dma_start3A_555 = tpu.memref_squeeze %dma_start3A_554 : memref<1x64xf32, #tpu.memory_space<hbm>> -> memref<64xf32, #tpu.memory_space<hbm>>
      tpu.enqueue_dma source(%dma_start3A_555 : memref<64xf32, #tpu.memory_space<hbm>>) target(%dma_start3A_552 : memref<64xf32, #tpu.memory_space<vmem>>) target_semaphore(%arg16 : memref<!tpu.dma_semaphore, #tpu.memory_space<semaphore_mem>>)
      %slice3A_556 = vector.extract_strided_slice %get3A_30 {offsets = [11], sizes = [1], strides = [1]} : vector<16xi32> to vector<1xi32>
      %squeeze3A_557 = vector.extract %slice3A_556[0] : i32 from vector<1xi32>
      %dma_start3A_558 = arith.constant 64 : i32
      %dma_start3A_559 = tpu.memref_slice %arg13[%add3A_541, %dma_start3A_558] : memref<256x128xf32, #tpu.memory_space<vmem>> -> memref<1x64xf32, #tpu.memory_space<vmem>>
      %dma_start3A_560 = tpu.memref_squeeze %dma_start3A_559 : memref<1x64xf32, #tpu.memory_space<vmem>> -> memref<64xf32, #tpu.memory_space<vmem>>
      %dma_start3A_561 = arith.constant 0 : i32
      %dma_start3A_562 = tpu.memref_slice %arg5[%squeeze3A_557, %dma_start3A_561] : memref<1000000x64xf32, #tpu.memory_space<hbm>> -> memref<1x64xf32, #tpu.memory_space<hbm>>
      %dma_start3A_563 = tpu.memref_squeeze %dma_start3A_562 : memref<1x64xf32, #tpu.memory_space<hbm>> -> memref<64xf32, #tpu.memory_space<hbm>>
      %dma_start3A_564 = arith.constant 64 : i32
      %dma_start3A_565 = tpu.memref_slice %arg13[%add3A_541, %dma_start3A_564] : memref<256x128xf32, #tpu.memory_space<vmem>> -> memref<1x64xf32, #tpu.memory_space<vmem>>
      %dma_start3A_566 = tpu.memref_squeeze %dma_start3A_565 : memref<1x64xf32, #tpu.memory_space<vmem>> -> memref<64xf32, #tpu.memory_space<vmem>>
      %dma_start3A_567 = arith.constant 0 : i32
      %dma_start3A_568 = tpu.memref_slice %arg5[%squeeze3A_557, %dma_start3A_567] : memref<1000000x64xf32, #tpu.memory_space<hbm>> -> memref<1x64xf32, #tpu.memory_space<hbm>>
      %dma_start3A_569 = tpu.memref_squeeze %dma_start3A_568 : memref<1x64xf32, #tpu.memory_space<hbm>> -> memref<64xf32, #tpu.memory_space<hbm>>
      tpu.enqueue_dma source(%dma_start3A_569 : memref<64xf32, #tpu.memory_space<hbm>>) target(%dma_start3A_566 : memref<64xf32, #tpu.memory_space<vmem>>) target_semaphore(%arg16 : memref<!tpu.dma_semaphore, #tpu.memory_space<semaphore_mem>>)
      %slice3A_570 = vector.extract_strided_slice %get3A_34 {offsets = [11], sizes = [1], strides = [1]} : vector<16xi32> to vector<1xi32>
      %squeeze3A_571 = vector.extract %slice3A_570[0] : i32 from vector<1xi32>
      %dma_start3A_572 = arith.constant 64 : i32
      %dma_start3A_573 = tpu.memref_slice %arg14[%add3A_541, %dma_start3A_572] : memref<256x128xf32, #tpu.memory_space<vmem>> -> memref<1x64xf32, #tpu.memory_space<vmem>>
      %dma_start3A_574 = tpu.memref_squeeze %dma_start3A_573 : memref<1x64xf32, #tpu.memory_space<vmem>> -> memref<64xf32, #tpu.memory_space<vmem>>
      %dma_start3A_575 = arith.constant 0 : i32
      %dma_start3A_576 = tpu.memref_slice %arg6[%squeeze3A_571, %dma_start3A_575] : memref<1000x64xf32, #tpu.memory_space<hbm>> -> memref<1x64xf32, #tpu.memory_space<hbm>>
      %dma_start3A_577 = tpu.memref_squeeze %dma_start3A_576 : memref<1x64xf32, #tpu.memory_space<hbm>> -> memref<64xf32, #tpu.memory_space<hbm>>
      %dma_start3A_578 = arith.constant 64 : i32
      %dma_start3A_579 = tpu.memref_slice %arg14[%add3A_541, %dma_start3A_578] : memref<256x128xf32, #tpu.memory_space<vmem>> -> memref<1x64xf32, #tpu.memory_space<vmem>>
      %dma_start3A_580 = tpu.memref_squeeze %dma_start3A_579 : memref<1x64xf32, #tpu.memory_space<vmem>> -> memref<64xf32, #tpu.memory_space<vmem>>
      %dma_start3A_581 = arith.constant 0 : i32
      %dma_start3A_582 = tpu.memref_slice %arg6[%squeeze3A_571, %dma_start3A_581] : memref<1000x64xf32, #tpu.memory_space<hbm>> -> memref<1x64xf32, #tpu.memory_space<hbm>>
      %dma_start3A_583 = tpu.memref_squeeze %dma_start3A_582 : memref<1x64xf32, #tpu.memory_space<hbm>> -> memref<64xf32, #tpu.memory_space<hbm>>
      tpu.enqueue_dma source(%dma_start3A_583 : memref<64xf32, #tpu.memory_space<hbm>>) target(%dma_start3A_580 : memref<64xf32, #tpu.memory_space<vmem>>) target_semaphore(%arg16 : memref<!tpu.dma_semaphore, #tpu.memory_space<semaphore_mem>>)
      %mul3A_584 = arith.constant 8 : i32
      %mul3A_585 = arith.muli %scan3A_22, %mul3A_584 : i32
      %add3A_586 = arith.constant 6 : i32
      %add3A_587 = arith.addi %mul3A_585, %add3A_586 : i32
      %slice3A_588 = vector.extract_strided_slice %get3A_26 {offsets = [12], sizes = [1], strides = [1]} : vector<16xi32> to vector<1xi32>
      %squeeze3A_589 = vector.extract %slice3A_588[0] : i32 from vector<1xi32>
      %dma_start3A_590 = arith.constant 0 : i32
      %dma_start3A_591 = tpu.memref_slice %arg12[%add3A_587, %dma_start3A_590] : memref<256x128xf32, #tpu.memory_space<vmem>> -> memref<1x64xf32, #tpu.memory_space<vmem>>
      %dma_start3A_592 = tpu.memref_squeeze %dma_start3A_591 : memref<1x64xf32, #tpu.memory_space<vmem>> -> memref<64xf32, #tpu.memory_space<vmem>>
      %dma_start3A_593 = arith.constant 0 : i32
      %dma_start3A_594 = tpu.memref_slice %arg5[%squeeze3A_589, %dma_start3A_593] : memref<1000000x64xf32, #tpu.memory_space<hbm>> -> memref<1x64xf32, #tpu.memory_space<hbm>>
      %dma_start3A_595 = tpu.memref_squeeze %dma_start3A_594 : memref<1x64xf32, #tpu.memory_space<hbm>> -> memref<64xf32, #tpu.memory_space<hbm>>
      %dma_start3A_596 = arith.constant 0 : i32
      %dma_start3A_597 = tpu.memref_slice %arg12[%add3A_587, %dma_start3A_596] : memref<256x128xf32, #tpu.memory_space<vmem>> -> memref<1x64xf32, #tpu.memory_space<vmem>>
      %dma_start3A_598 = tpu.memref_squeeze %dma_start3A_597 : memref<1x64xf32, #tpu.memory_space<vmem>> -> memref<64xf32, #tpu.memory_space<vmem>>
      %dma_start3A_599 = arith.constant 0 : i32
      %dma_start3A_600 = tpu.memref_slice %arg5[%squeeze3A_589, %dma_start3A_599] : memref<1000000x64xf32, #tpu.memory_space<hbm>> -> memref<1x64xf32, #tpu.memory_space<hbm>>
      %dma_start3A_601 = tpu.memref_squeeze %dma_start3A_600 : memref<1x64xf32, #tpu.memory_space<hbm>> -> memref<64xf32, #tpu.memory_space<hbm>>
      tpu.enqueue_dma source(%dma_start3A_601 : memref<64xf32, #tpu.memory_space<hbm>>) target(%dma_start3A_598 : memref<64xf32, #tpu.memory_space<vmem>>) target_semaphore(%arg16 : memref<!tpu.dma_semaphore, #tpu.memory_space<semaphore_mem>>)
      %slice3A_602 = vector.extract_strided_slice %get3A_30 {offsets = [12], sizes = [1], strides = [1]} : vector<16xi32> to vector<1xi32>
      %squeeze3A_603 = vector.extract %slice3A_602[0] : i32 from vector<1xi32>
      %dma_start3A_604 = arith.constant 0 : i32
      %dma_start3A_605 = tpu.memref_slice %arg13[%add3A_587, %dma_start3A_604] : memref<256x128xf32, #tpu.memory_space<vmem>> -> memref<1x64xf32, #tpu.memory_space<vmem>>
      %dma_start3A_606 = tpu.memref_squeeze %dma_start3A_605 : memref<1x64xf32, #tpu.memory_space<vmem>> -> memref<64xf32, #tpu.memory_space<vmem>>
      %dma_start3A_607 = arith.constant 0 : i32
      %dma_start3A_608 = tpu.memref_slice %arg5[%squeeze3A_603, %dma_start3A_607] : memref<1000000x64xf32, #tpu.memory_space<hbm>> -> memref<1x64xf32, #tpu.memory_space<hbm>>
      %dma_start3A_609 = tpu.memref_squeeze %dma_start3A_608 : memref<1x64xf32, #tpu.memory_space<hbm>> -> memref<64xf32, #tpu.memory_space<hbm>>
      %dma_start3A_610 = arith.constant 0 : i32
      %dma_start3A_611 = tpu.memref_slice %arg13[%add3A_587, %dma_start3A_610] : memref<256x128xf32, #tpu.memory_space<vmem>> -> memref<1x64xf32, #tpu.memory_space<vmem>>
      %dma_start3A_612 = tpu.memref_squeeze %dma_start3A_611 : memref<1x64xf32, #tpu.memory_space<vmem>> -> memref<64xf32, #tpu.memory_space<vmem>>
      %dma_start3A_613 = arith.constant 0 : i32
      %dma_start3A_614 = tpu.memref_slice %arg5[%squeeze3A_603, %dma_start3A_613] : memref<1000000x64xf32, #tpu.memory_space<hbm>> -> memref<1x64xf32, #tpu.memory_space<hbm>>
      %dma_start3A_615 = tpu.memref_squeeze %dma_start3A_614 : memref<1x64xf32, #tpu.memory_space<hbm>> -> memref<64xf32, #tpu.memory_space<hbm>>
      tpu.enqueue_dma source(%dma_start3A_615 : memref<64xf32, #tpu.memory_space<hbm>>) target(%dma_start3A_612 : memref<64xf32, #tpu.memory_space<vmem>>) target_semaphore(%arg16 : memref<!tpu.dma_semaphore, #tpu.memory_space<semaphore_mem>>)
      %slice3A_616 = vector.extract_strided_slice %get3A_34 {offsets = [12], sizes = [1], strides = [1]} : vector<16xi32> to vector<1xi32>
      %squeeze3A_617 = vector.extract %slice3A_616[0] : i32 from vector<1xi32>
      %dma_start3A_618 = arith.constant 0 : i32
      %dma_start3A_619 = tpu.memref_slice %arg14[%add3A_587, %dma_start3A_618] : memref<256x128xf32, #tpu.memory_space<vmem>> -> memref<1x64xf32, #tpu.memory_space<vmem>>
      %dma_start3A_620 = tpu.memref_squeeze %dma_start3A_619 : memref<1x64xf32, #tpu.memory_space<vmem>> -> memref<64xf32, #tpu.memory_space<vmem>>
      %dma_start3A_621 = arith.constant 0 : i32
      %dma_start3A_622 = tpu.memref_slice %arg6[%squeeze3A_617, %dma_start3A_621] : memref<1000x64xf32, #tpu.memory_space<hbm>> -> memref<1x64xf32, #tpu.memory_space<hbm>>
      %dma_start3A_623 = tpu.memref_squeeze %dma_start3A_622 : memref<1x64xf32, #tpu.memory_space<hbm>> -> memref<64xf32, #tpu.memory_space<hbm>>
      %dma_start3A_624 = arith.constant 0 : i32
      %dma_start3A_625 = tpu.memref_slice %arg14[%add3A_587, %dma_start3A_624] : memref<256x128xf32, #tpu.memory_space<vmem>> -> memref<1x64xf32, #tpu.memory_space<vmem>>
      %dma_start3A_626 = tpu.memref_squeeze %dma_start3A_625 : memref<1x64xf32, #tpu.memory_space<vmem>> -> memref<64xf32, #tpu.memory_space<vmem>>
      %dma_start3A_627 = arith.constant 0 : i32
      %dma_start3A_628 = tpu.memref_slice %arg6[%squeeze3A_617, %dma_start3A_627] : memref<1000x64xf32, #tpu.memory_space<hbm>> -> memref<1x64xf32, #tpu.memory_space<hbm>>
      %dma_start3A_629 = tpu.memref_squeeze %dma_start3A_628 : memref<1x64xf32, #tpu.memory_space<hbm>> -> memref<64xf32, #tpu.memory_space<hbm>>
      tpu.enqueue_dma source(%dma_start3A_629 : memref<64xf32, #tpu.memory_space<hbm>>) target(%dma_start3A_626 : memref<64xf32, #tpu.memory_space<vmem>>) target_semaphore(%arg16 : memref<!tpu.dma_semaphore, #tpu.memory_space<semaphore_mem>>)
      %mul3A_630 = arith.constant 8 : i32
      %mul3A_631 = arith.muli %scan3A_22, %mul3A_630 : i32
      %add3A_632 = arith.constant 6 : i32
      %add3A_633 = arith.addi %mul3A_631, %add3A_632 : i32
      %slice3A_634 = vector.extract_strided_slice %get3A_26 {offsets = [13], sizes = [1], strides = [1]} : vector<16xi32> to vector<1xi32>
      %squeeze3A_635 = vector.extract %slice3A_634[0] : i32 from vector<1xi32>
      %dma_start3A_636 = arith.constant 64 : i32
      %dma_start3A_637 = tpu.memref_slice %arg12[%add3A_633, %dma_start3A_636] : memref<256x128xf32, #tpu.memory_space<vmem>> -> memref<1x64xf32, #tpu.memory_space<vmem>>
      %dma_start3A_638 = tpu.memref_squeeze %dma_start3A_637 : memref<1x64xf32, #tpu.memory_space<vmem>> -> memref<64xf32, #tpu.memory_space<vmem>>
      %dma_start3A_639 = arith.constant 0 : i32
      %dma_start3A_640 = tpu.memref_slice %arg5[%squeeze3A_635, %dma_start3A_639] : memref<1000000x64xf32, #tpu.memory_space<hbm>> -> memref<1x64xf32, #tpu.memory_space<hbm>>
      %dma_start3A_641 = tpu.memref_squeeze %dma_start3A_640 : memref<1x64xf32, #tpu.memory_space<hbm>> -> memref<64xf32, #tpu.memory_space<hbm>>
      %dma_start3A_642 = arith.constant 64 : i32
      %dma_start3A_643 = tpu.memref_slice %arg12[%add3A_633, %dma_start3A_642] : memref<256x128xf32, #tpu.memory_space<vmem>> -> memref<1x64xf32, #tpu.memory_space<vmem>>
      %dma_start3A_644 = tpu.memref_squeeze %dma_start3A_643 : memref<1x64xf32, #tpu.memory_space<vmem>> -> memref<64xf32, #tpu.memory_space<vmem>>
      %dma_start3A_645 = arith.constant 0 : i32
      %dma_start3A_646 = tpu.memref_slice %arg5[%squeeze3A_635, %dma_start3A_645] : memref<1000000x64xf32, #tpu.memory_space<hbm>> -> memref<1x64xf32, #tpu.memory_space<hbm>>
      %dma_start3A_647 = tpu.memref_squeeze %dma_start3A_646 : memref<1x64xf32, #tpu.memory_space<hbm>> -> memref<64xf32, #tpu.memory_space<hbm>>
      tpu.enqueue_dma source(%dma_start3A_647 : memref<64xf32, #tpu.memory_space<hbm>>) target(%dma_start3A_644 : memref<64xf32, #tpu.memory_space<vmem>>) target_semaphore(%arg16 : memref<!tpu.dma_semaphore, #tpu.memory_space<semaphore_mem>>)
      %slice3A_648 = vector.extract_strided_slice %get3A_30 {offsets = [13], sizes = [1], strides = [1]} : vector<16xi32> to vector<1xi32>
      %squeeze3A_649 = vector.extract %slice3A_648[0] : i32 from vector<1xi32>
      %dma_start3A_650 = arith.constant 64 : i32
      %dma_start3A_651 = tpu.memref_slice %arg13[%add3A_633, %dma_start3A_650] : memref<256x128xf32, #tpu.memory_space<vmem>> -> memref<1x64xf32, #tpu.memory_space<vmem>>
      %dma_start3A_652 = tpu.memref_squeeze %dma_start3A_651 : memref<1x64xf32, #tpu.memory_space<vmem>> -> memref<64xf32, #tpu.memory_space<vmem>>
      %dma_start3A_653 = arith.constant 0 : i32
      %dma_start3A_654 = tpu.memref_slice %arg5[%squeeze3A_649, %dma_start3A_653] : memref<1000000x64xf32, #tpu.memory_space<hbm>> -> memref<1x64xf32, #tpu.memory_space<hbm>>
      %dma_start3A_655 = tpu.memref_squeeze %dma_start3A_654 : memref<1x64xf32, #tpu.memory_space<hbm>> -> memref<64xf32, #tpu.memory_space<hbm>>
      %dma_start3A_656 = arith.constant 64 : i32
      %dma_start3A_657 = tpu.memref_slice %arg13[%add3A_633, %dma_start3A_656] : memref<256x128xf32, #tpu.memory_space<vmem>> -> memref<1x64xf32, #tpu.memory_space<vmem>>
      %dma_start3A_658 = tpu.memref_squeeze %dma_start3A_657 : memref<1x64xf32, #tpu.memory_space<vmem>> -> memref<64xf32, #tpu.memory_space<vmem>>
      %dma_start3A_659 = arith.constant 0 : i32
      %dma_start3A_660 = tpu.memref_slice %arg5[%squeeze3A_649, %dma_start3A_659] : memref<1000000x64xf32, #tpu.memory_space<hbm>> -> memref<1x64xf32, #tpu.memory_space<hbm>>
      %dma_start3A_661 = tpu.memref_squeeze %dma_start3A_660 : memref<1x64xf32, #tpu.memory_space<hbm>> -> memref<64xf32, #tpu.memory_space<hbm>>
      tpu.enqueue_dma source(%dma_start3A_661 : memref<64xf32, #tpu.memory_space<hbm>>) target(%dma_start3A_658 : memref<64xf32, #tpu.memory_space<vmem>>) target_semaphore(%arg16 : memref<!tpu.dma_semaphore, #tpu.memory_space<semaphore_mem>>)
      %slice3A_662 = vector.extract_strided_slice %get3A_34 {offsets = [13], sizes = [1], strides = [1]} : vector<16xi32> to vector<1xi32>
      %squeeze3A_663 = vector.extract %slice3A_662[0] : i32 from vector<1xi32>
      %dma_start3A_664 = arith.constant 64 : i32
      %dma_start3A_665 = tpu.memref_slice %arg14[%add3A_633, %dma_start3A_664] : memref<256x128xf32, #tpu.memory_space<vmem>> -> memref<1x64xf32, #tpu.memory_space<vmem>>
      %dma_start3A_666 = tpu.memref_squeeze %dma_start3A_665 : memref<1x64xf32, #tpu.memory_space<vmem>> -> memref<64xf32, #tpu.memory_space<vmem>>
      %dma_start3A_667 = arith.constant 0 : i32
      %dma_start3A_668 = tpu.memref_slice %arg6[%squeeze3A_663, %dma_start3A_667] : memref<1000x64xf32, #tpu.memory_space<hbm>> -> memref<1x64xf32, #tpu.memory_space<hbm>>
      %dma_start3A_669 = tpu.memref_squeeze %dma_start3A_668 : memref<1x64xf32, #tpu.memory_space<hbm>> -> memref<64xf32, #tpu.memory_space<hbm>>
      %dma_start3A_670 = arith.constant 64 : i32
      %dma_start3A_671 = tpu.memref_slice %arg14[%add3A_633, %dma_start3A_670] : memref<256x128xf32, #tpu.memory_space<vmem>> -> memref<1x64xf32, #tpu.memory_space<vmem>>
      %dma_start3A_672 = tpu.memref_squeeze %dma_start3A_671 : memref<1x64xf32, #tpu.memory_space<vmem>> -> memref<64xf32, #tpu.memory_space<vmem>>
      %dma_start3A_673 = arith.constant 0 : i32
      %dma_start3A_674 = tpu.memref_slice %arg6[%squeeze3A_663, %dma_start3A_673] : memref<1000x64xf32, #tpu.memory_space<hbm>> -> memref<1x64xf32, #tpu.memory_space<hbm>>
      %dma_start3A_675 = tpu.memref_squeeze %dma_start3A_674 : memref<1x64xf32, #tpu.memory_space<hbm>> -> memref<64xf32, #tpu.memory_space<hbm>>
      tpu.enqueue_dma source(%dma_start3A_675 : memref<64xf32, #tpu.memory_space<hbm>>) target(%dma_start3A_672 : memref<64xf32, #tpu.memory_space<vmem>>) target_semaphore(%arg16 : memref<!tpu.dma_semaphore, #tpu.memory_space<semaphore_mem>>)
      %mul3A_676 = arith.constant 8 : i32
      %mul3A_677 = arith.muli %scan3A_22, %mul3A_676 : i32
      %add3A_678 = arith.constant 7 : i32
      %add3A_679 = arith.addi %mul3A_677, %add3A_678 : i32
      %slice3A_680 = vector.extract_strided_slice %get3A_26 {offsets = [14], sizes = [1], strides = [1]} : vector<16xi32> to vector<1xi32>
      %squeeze3A_681 = vector.extract %slice3A_680[0] : i32 from vector<1xi32>
      %dma_start3A_682 = arith.constant 0 : i32
      %dma_start3A_683 = tpu.memref_slice %arg12[%add3A_679, %dma_start3A_682] : memref<256x128xf32, #tpu.memory_space<vmem>> -> memref<1x64xf32, #tpu.memory_space<vmem>>
      %dma_start3A_684 = tpu.memref_squeeze %dma_start3A_683 : memref<1x64xf32, #tpu.memory_space<vmem>> -> memref<64xf32, #tpu.memory_space<vmem>>
      %dma_start3A_685 = arith.constant 0 : i32
      %dma_start3A_686 = tpu.memref_slice %arg5[%squeeze3A_681, %dma_start3A_685] : memref<1000000x64xf32, #tpu.memory_space<hbm>> -> memref<1x64xf32, #tpu.memory_space<hbm>>
      %dma_start3A_687 = tpu.memref_squeeze %dma_start3A_686 : memref<1x64xf32, #tpu.memory_space<hbm>> -> memref<64xf32, #tpu.memory_space<hbm>>
      %dma_start3A_688 = arith.constant 0 : i32
      %dma_start3A_689 = tpu.memref_slice %arg12[%add3A_679, %dma_start3A_688] : memref<256x128xf32, #tpu.memory_space<vmem>> -> memref<1x64xf32, #tpu.memory_space<vmem>>
      %dma_start3A_690 = tpu.memref_squeeze %dma_start3A_689 : memref<1x64xf32, #tpu.memory_space<vmem>> -> memref<64xf32, #tpu.memory_space<vmem>>
      %dma_start3A_691 = arith.constant 0 : i32
      %dma_start3A_692 = tpu.memref_slice %arg5[%squeeze3A_681, %dma_start3A_691] : memref<1000000x64xf32, #tpu.memory_space<hbm>> -> memref<1x64xf32, #tpu.memory_space<hbm>>
      %dma_start3A_693 = tpu.memref_squeeze %dma_start3A_692 : memref<1x64xf32, #tpu.memory_space<hbm>> -> memref<64xf32, #tpu.memory_space<hbm>>
      tpu.enqueue_dma source(%dma_start3A_693 : memref<64xf32, #tpu.memory_space<hbm>>) target(%dma_start3A_690 : memref<64xf32, #tpu.memory_space<vmem>>) target_semaphore(%arg16 : memref<!tpu.dma_semaphore, #tpu.memory_space<semaphore_mem>>)
      %slice3A_694 = vector.extract_strided_slice %get3A_30 {offsets = [14], sizes = [1], strides = [1]} : vector<16xi32> to vector<1xi32>
      %squeeze3A_695 = vector.extract %slice3A_694[0] : i32 from vector<1xi32>
      %dma_start3A_696 = arith.constant 0 : i32
      %dma_start3A_697 = tpu.memref_slice %arg13[%add3A_679, %dma_start3A_696] : memref<256x128xf32, #tpu.memory_space<vmem>> -> memref<1x64xf32, #tpu.memory_space<vmem>>
      %dma_start3A_698 = tpu.memref_squeeze %dma_start3A_697 : memref<1x64xf32, #tpu.memory_space<vmem>> -> memref<64xf32, #tpu.memory_space<vmem>>
      %dma_start3A_699 = arith.constant 0 : i32
      %dma_start3A_700 = tpu.memref_slice %arg5[%squeeze3A_695, %dma_start3A_699] : memref<1000000x64xf32, #tpu.memory_space<hbm>> -> memref<1x64xf32, #tpu.memory_space<hbm>>
      %dma_start3A_701 = tpu.memref_squeeze %dma_start3A_700 : memref<1x64xf32, #tpu.memory_space<hbm>> -> memref<64xf32, #tpu.memory_space<hbm>>
      %dma_start3A_702 = arith.constant 0 : i32
      %dma_start3A_703 = tpu.memref_slice %arg13[%add3A_679, %dma_start3A_702] : memref<256x128xf32, #tpu.memory_space<vmem>> -> memref<1x64xf32, #tpu.memory_space<vmem>>
      %dma_start3A_704 = tpu.memref_squeeze %dma_start3A_703 : memref<1x64xf32, #tpu.memory_space<vmem>> -> memref<64xf32, #tpu.memory_space<vmem>>
      %dma_start3A_705 = arith.constant 0 : i32
      %dma_start3A_706 = tpu.memref_slice %arg5[%squeeze3A_695, %dma_start3A_705] : memref<1000000x64xf32, #tpu.memory_space<hbm>> -> memref<1x64xf32, #tpu.memory_space<hbm>>
      %dma_start3A_707 = tpu.memref_squeeze %dma_start3A_706 : memref<1x64xf32, #tpu.memory_space<hbm>> -> memref<64xf32, #tpu.memory_space<hbm>>
      tpu.enqueue_dma source(%dma_start3A_707 : memref<64xf32, #tpu.memory_space<hbm>>) target(%dma_start3A_704 : memref<64xf32, #tpu.memory_space<vmem>>) target_semaphore(%arg16 : memref<!tpu.dma_semaphore, #tpu.memory_space<semaphore_mem>>)
      %slice3A_708 = vector.extract_strided_slice %get3A_34 {offsets = [14], sizes = [1], strides = [1]} : vector<16xi32> to vector<1xi32>
      %squeeze3A_709 = vector.extract %slice3A_708[0] : i32 from vector<1xi32>
      %dma_start3A_710 = arith.constant 0 : i32
      %dma_start3A_711 = tpu.memref_slice %arg14[%add3A_679, %dma_start3A_710] : memref<256x128xf32, #tpu.memory_space<vmem>> -> memref<1x64xf32, #tpu.memory_space<vmem>>
      %dma_start3A_712 = tpu.memref_squeeze %dma_start3A_711 : memref<1x64xf32, #tpu.memory_space<vmem>> -> memref<64xf32, #tpu.memory_space<vmem>>
      %dma_start3A_713 = arith.constant 0 : i32
      %dma_start3A_714 = tpu.memref_slice %arg6[%squeeze3A_709, %dma_start3A_713] : memref<1000x64xf32, #tpu.memory_space<hbm>> -> memref<1x64xf32, #tpu.memory_space<hbm>>
      %dma_start3A_715 = tpu.memref_squeeze %dma_start3A_714 : memref<1x64xf32, #tpu.memory_space<hbm>> -> memref<64xf32, #tpu.memory_space<hbm>>
      %dma_start3A_716 = arith.constant 0 : i32
      %dma_start3A_717 = tpu.memref_slice %arg14[%add3A_679, %dma_start3A_716] : memref<256x128xf32, #tpu.memory_space<vmem>> -> memref<1x64xf32, #tpu.memory_space<vmem>>
      %dma_start3A_718 = tpu.memref_squeeze %dma_start3A_717 : memref<1x64xf32, #tpu.memory_space<vmem>> -> memref<64xf32, #tpu.memory_space<vmem>>
      %dma_start3A_719 = arith.constant 0 : i32
      %dma_start3A_720 = tpu.memref_slice %arg6[%squeeze3A_709, %dma_start3A_719] : memref<1000x64xf32, #tpu.memory_space<hbm>> -> memref<1x64xf32, #tpu.memory_space<hbm>>
      %dma_start3A_721 = tpu.memref_squeeze %dma_start3A_720 : memref<1x64xf32, #tpu.memory_space<hbm>> -> memref<64xf32, #tpu.memory_space<hbm>>
      tpu.enqueue_dma source(%dma_start3A_721 : memref<64xf32, #tpu.memory_space<hbm>>) target(%dma_start3A_718 : memref<64xf32, #tpu.memory_space<vmem>>) target_semaphore(%arg16 : memref<!tpu.dma_semaphore, #tpu.memory_space<semaphore_mem>>)
      %mul3A_722 = arith.constant 8 : i32
      %mul3A_723 = arith.muli %scan3A_22, %mul3A_722 : i32
      %add3A_724 = arith.constant 7 : i32
      %add3A_725 = arith.addi %mul3A_723, %add3A_724 : i32
      %slice3A_726 = vector.extract_strided_slice %get3A_26 {offsets = [15], sizes = [1], strides = [1]} : vector<16xi32> to vector<1xi32>
      %squeeze3A_727 = vector.extract %slice3A_726[0] : i32 from vector<1xi32>
      %dma_start3A_728 = arith.constant 64 : i32
      %dma_start3A_729 = tpu.memref_slice %arg12[%add3A_725, %dma_start3A_728] : memref<256x128xf32, #tpu.memory_space<vmem>> -> memref<1x64xf32, #tpu.memory_space<vmem>>
      %dma_start3A_730 = tpu.memref_squeeze %dma_start3A_729 : memref<1x64xf32, #tpu.memory_space<vmem>> -> memref<64xf32, #tpu.memory_space<vmem>>
      %dma_start3A_731 = arith.constant 0 : i32
      %dma_start3A_732 = tpu.memref_slice %arg5[%squeeze3A_727, %dma_start3A_731] : memref<1000000x64xf32, #tpu.memory_space<hbm>> -> memref<1x64xf32, #tpu.memory_space<hbm>>
      %dma_start3A_733 = tpu.memref_squeeze %dma_start3A_732 : memref<1x64xf32, #tpu.memory_space<hbm>> -> memref<64xf32, #tpu.memory_space<hbm>>
      %dma_start3A_734 = arith.constant 64 : i32
      %dma_start3A_735 = tpu.memref_slice %arg12[%add3A_725, %dma_start3A_734] : memref<256x128xf32, #tpu.memory_space<vmem>> -> memref<1x64xf32, #tpu.memory_space<vmem>>
      %dma_start3A_736 = tpu.memref_squeeze %dma_start3A_735 : memref<1x64xf32, #tpu.memory_space<vmem>> -> memref<64xf32, #tpu.memory_space<vmem>>
      %dma_start3A_737 = arith.constant 0 : i32
      %dma_start3A_738 = tpu.memref_slice %arg5[%squeeze3A_727, %dma_start3A_737] : memref<1000000x64xf32, #tpu.memory_space<hbm>> -> memref<1x64xf32, #tpu.memory_space<hbm>>
      %dma_start3A_739 = tpu.memref_squeeze %dma_start3A_738 : memref<1x64xf32, #tpu.memory_space<hbm>> -> memref<64xf32, #tpu.memory_space<hbm>>
      tpu.enqueue_dma source(%dma_start3A_739 : memref<64xf32, #tpu.memory_space<hbm>>) target(%dma_start3A_736 : memref<64xf32, #tpu.memory_space<vmem>>) target_semaphore(%arg16 : memref<!tpu.dma_semaphore, #tpu.memory_space<semaphore_mem>>)
      %slice3A_740 = vector.extract_strided_slice %get3A_30 {offsets = [15], sizes = [1], strides = [1]} : vector<16xi32> to vector<1xi32>
      %squeeze3A_741 = vector.extract %slice3A_740[0] : i32 from vector<1xi32>
      %dma_start3A_742 = arith.constant 64 : i32
      %dma_start3A_743 = tpu.memref_slice %arg13[%add3A_725, %dma_start3A_742] : memref<256x128xf32, #tpu.memory_space<vmem>> -> memref<1x64xf32, #tpu.memory_space<vmem>>
      %dma_start3A_744 = tpu.memref_squeeze %dma_start3A_743 : memref<1x64xf32, #tpu.memory_space<vmem>> -> memref<64xf32, #tpu.memory_space<vmem>>
      %dma_start3A_745 = arith.constant 0 : i32
      %dma_start3A_746 = tpu.memref_slice %arg5[%squeeze3A_741, %dma_start3A_745] : memref<1000000x64xf32, #tpu.memory_space<hbm>> -> memref<1x64xf32, #tpu.memory_space<hbm>>
      %dma_start3A_747 = tpu.memref_squeeze %dma_start3A_746 : memref<1x64xf32, #tpu.memory_space<hbm>> -> memref<64xf32, #tpu.memory_space<hbm>>
      %dma_start3A_748 = arith.constant 64 : i32
      %dma_start3A_749 = tpu.memref_slice %arg13[%add3A_725, %dma_start3A_748] : memref<256x128xf32, #tpu.memory_space<vmem>> -> memref<1x64xf32, #tpu.memory_space<vmem>>
      %dma_start3A_750 = tpu.memref_squeeze %dma_start3A_749 : memref<1x64xf32, #tpu.memory_space<vmem>> -> memref<64xf32, #tpu.memory_space<vmem>>
      %dma_start3A_751 = arith.constant 0 : i32
      %dma_start3A_752 = tpu.memref_slice %arg5[%squeeze3A_741, %dma_start3A_751] : memref<1000000x64xf32, #tpu.memory_space<hbm>> -> memref<1x64xf32, #tpu.memory_space<hbm>>
      %dma_start3A_753 = tpu.memref_squeeze %dma_start3A_752 : memref<1x64xf32, #tpu.memory_space<hbm>> -> memref<64xf32, #tpu.memory_space<hbm>>
      tpu.enqueue_dma source(%dma_start3A_753 : memref<64xf32, #tpu.memory_space<hbm>>) target(%dma_start3A_750 : memref<64xf32, #tpu.memory_space<vmem>>) target_semaphore(%arg16 : memref<!tpu.dma_semaphore, #tpu.memory_space<semaphore_mem>>)
      %slice3A_754 = vector.extract_strided_slice %get3A_34 {offsets = [15], sizes = [1], strides = [1]} : vector<16xi32> to vector<1xi32>
      %squeeze3A_755 = vector.extract %slice3A_754[0] : i32 from vector<1xi32>
      %dma_start3A_756 = arith.constant 64 : i32
      %dma_start3A_757 = tpu.memref_slice %arg14[%add3A_725, %dma_start3A_756] : memref<256x128xf32, #tpu.memory_space<vmem>> -> memref<1x64xf32, #tpu.memory_space<vmem>>
      %dma_start3A_758 = tpu.memref_squeeze %dma_start3A_757 : memref<1x64xf32, #tpu.memory_space<vmem>> -> memref<64xf32, #tpu.memory_space<vmem>>
      %dma_start3A_759 = arith.constant 0 : i32
      %dma_start3A_760 = tpu.memref_slice %arg6[%squeeze3A_755, %dma_start3A_759] : memref<1000x64xf32, #tpu.memory_space<hbm>> -> memref<1x64xf32, #tpu.memory_space<hbm>>
      %dma_start3A_761 = tpu.memref_squeeze %dma_start3A_760 : memref<1x64xf32, #tpu.memory_space<hbm>> -> memref<64xf32, #tpu.memory_space<hbm>>
      %dma_start3A_762 = arith.constant 64 : i32
      %dma_start3A_763 = tpu.memref_slice %arg14[%add3A_725, %dma_start3A_762] : memref<256x128xf32, #tpu.memory_space<vmem>> -> memref<1x64xf32, #tpu.memory_space<vmem>>
      %dma_start3A_764 = tpu.memref_squeeze %dma_start3A_763 : memref<1x64xf32, #tpu.memory_space<vmem>> -> memref<64xf32, #tpu.memory_space<vmem>>
      %dma_start3A_765 = arith.constant 0 : i32
      %dma_start3A_766 = tpu.memref_slice %arg6[%squeeze3A_755, %dma_start3A_765] : memref<1000x64xf32, #tpu.memory_space<hbm>> -> memref<1x64xf32, #tpu.memory_space<hbm>>
      %dma_start3A_767 = tpu.memref_squeeze %dma_start3A_766 : memref<1x64xf32, #tpu.memory_space<hbm>> -> memref<64xf32, #tpu.memory_space<hbm>>
      tpu.enqueue_dma source(%dma_start3A_767 : memref<64xf32, #tpu.memory_space<hbm>>) target(%dma_start3A_764 : memref<64xf32, #tpu.memory_space<vmem>>) target_semaphore(%arg16 : memref<!tpu.dma_semaphore, #tpu.memory_space<semaphore_mem>>)
      %scan3A_768 = arith.constant 0 : i32
      scf.yield %scan3A_768 : i32
    }
    %scan3A_8 = arith.constant 32 : i32
    tpu.wait_dma2 semaphore(%arg16 : memref<!tpu.dma_semaphore, #tpu.memory_space<semaphore_mem>>) src(%arg7 : memref<256x128xf32, #tpu.memory_space<hbm>>) dst(%arg12 : memref<256x128xf32, #tpu.memory_space<vmem>>)
    tpu.wait_dma2 semaphore(%arg16 : memref<!tpu.dma_semaphore, #tpu.memory_space<semaphore_mem>>) src(%arg7 : memref<256x128xf32, #tpu.memory_space<hbm>>) dst(%arg13 : memref<256x128xf32, #tpu.memory_space<vmem>>)
    tpu.wait_dma2 semaphore(%arg16 : memref<!tpu.dma_semaphore, #tpu.memory_space<semaphore_mem>>) src(%arg7 : memref<256x128xf32, #tpu.memory_space<hbm>>) dst(%arg14 : memref<256x128xf32, #tpu.memory_space<vmem>>)
    %iota3A = tpu.iota {dimensions = array<i32: 0>} : vector<16xi32>
    %shift_right_logical3A = arith.constant 1 : i32
    %shift_right_logical3A_9 = vector.broadcast %shift_right_logical3A : i32 to vector<16xi32>
    %shift_right_logical3A_10 = arith.shrui %iota3A, %shift_right_logical3A_9 : vector<16xi32>
    %broadcast_in_dim3A = arith.constant 1 : i32
    %broadcast_in_dim3A_11 = vector.broadcast %broadcast_in_dim3A : i32 to vector<16xi32>
    %and3A = arith.andi %iota3A, %broadcast_in_dim3A_11 : vector<16xi32>
    %broadcast_in_dim3A_12 = arith.constant 64 : i32
    %broadcast_in_dim3A_13 = vector.broadcast %broadcast_in_dim3A_12 : i32 to vector<16xi32>
    %mul3A_14 = arith.muli %and3A, %broadcast_in_dim3A_13 : vector<16xi32>
    %scan3A_15 = arith.constant 0 : i32
    %scan3A_16 = arith.constant 0 : i32
    %scan3A_17 = arith.constant 32 : i32
    %scan3A_18 = arith.addi %scan3A_16, %scan3A_17 : i32
    %scan3A_19 = arith.constant 1 : i32
    %scan3A_20 = scf.for %scan3A_22 = %scan3A_16 to %scan3A_18 step %scan3A_19 iter_args(%scan3A_23 = %scan3A_15) -> (i32)  : i32 {
      %mul3A_24 = arith.constant 8 : i32
      %mul3A_25 = arith.muli %scan3A_22, %mul3A_24 : i32
      %add3A_26 = vector.broadcast %mul3A_25 : i32 to vector<16xi32>
      %add3A_27 = arith.addi %add3A_26, %shift_right_logical3A_10 : vector<16xi32>
      %broadcast_in_dim3A_28 = arith.constant 0.000000e+00 : f32
      %broadcast_in_dim3A_29 = vector.broadcast %broadcast_in_dim3A_28 : f32 to vector<16xf32>
      %scan3A_30 = arith.constant 0 : i32
      %scan3A_31 = arith.constant 64 : i32
      %scan3A_32 = arith.addi %scan3A_30, %scan3A_31 : i32
      %scan3A_33 = arith.constant 8 : i32
      %scan3A_34 = scf.for %scan3A_40 = %scan3A_30 to %scan3A_32 step %scan3A_33 iter_args(%scan3A_41 = %broadcast_in_dim3A_29) -> (vector<16xf32>)  : i32 {
        %add3A_42 = vector.broadcast %scan3A_40 : i32 to vector<16xi32>
        %add3A_43 = arith.addi %mul3A_14, %add3A_42 : vector<16xi32>
        %gather3A = tpu.vector_load_idx %arg12[%add3A_27, %add3A_43] : memref<256x128xf32, #tpu.memory_space<vmem>>[vector<16xi32>, vector<16xi32>], vector<16xf32>,
        %gather3A_44 = tpu.vector_load_idx %arg13[%add3A_27, %add3A_43] : memref<256x128xf32, #tpu.memory_space<vmem>>[vector<16xi32>, vector<16xi32>], vector<16xf32>,
        %gather3A_45 = tpu.vector_load_idx %arg14[%add3A_27, %add3A_43] : memref<256x128xf32, #tpu.memory_space<vmem>>[vector<16xi32>, vector<16xi32>], vector<16xf32>,
        %mul3A_46 = arith.mulf %gather3A, %gather3A_44 : vector<16xf32>
        %mul3A_47 = arith.mulf %mul3A_46, %gather3A_45 : vector<16xf32>
        %add3A_48 = arith.addf %scan3A_41, %mul3A_47 : vector<16xf32>
        %scan3A_49 = arith.constant 1 : i32
        %scan3A_50 = arith.addi %scan3A_40, %scan3A_49 : i32
        %add3A_51 = vector.broadcast %scan3A_50 : i32 to vector<16xi32>
        %add3A_52 = arith.addi %mul3A_14, %add3A_51 : vector<16xi32>
        %gather3A_53 = tpu.vector_load_idx %arg12[%add3A_27, %add3A_52] : memref<256x128xf32, #tpu.memory_space<vmem>>[vector<16xi32>, vector<16xi32>], vector<16xf32>,
        %gather3A_54 = tpu.vector_load_idx %arg13[%add3A_27, %add3A_52] : memref<256x128xf32, #tpu.memory_space<vmem>>[vector<16xi32>, vector<16xi32>], vector<16xf32>,
        %gather3A_55 = tpu.vector_load_idx %arg14[%add3A_27, %add3A_52] : memref<256x128xf32, #tpu.memory_space<vmem>>[vector<16xi32>, vector<16xi32>], vector<16xf32>,
        %mul3A_56 = arith.mulf %gather3A_53, %gather3A_54 : vector<16xf32>
        %mul3A_57 = arith.mulf %mul3A_56, %gather3A_55 : vector<16xf32>
        %add3A_58 = arith.addf %add3A_48, %mul3A_57 : vector<16xf32>
        %scan3A_59 = arith.constant 2 : i32
        %scan3A_60 = arith.addi %scan3A_40, %scan3A_59 : i32
        %add3A_61 = vector.broadcast %scan3A_60 : i32 to vector<16xi32>
        %add3A_62 = arith.addi %mul3A_14, %add3A_61 : vector<16xi32>
        %gather3A_63 = tpu.vector_load_idx %arg12[%add3A_27, %add3A_62] : memref<256x128xf32, #tpu.memory_space<vmem>>[vector<16xi32>, vector<16xi32>], vector<16xf32>,
        %gather3A_64 = tpu.vector_load_idx %arg13[%add3A_27, %add3A_62] : memref<256x128xf32, #tpu.memory_space<vmem>>[vector<16xi32>, vector<16xi32>], vector<16xf32>,
        %gather3A_65 = tpu.vector_load_idx %arg14[%add3A_27, %add3A_62] : memref<256x128xf32, #tpu.memory_space<vmem>>[vector<16xi32>, vector<16xi32>], vector<16xf32>,
        %mul3A_66 = arith.mulf %gather3A_63, %gather3A_64 : vector<16xf32>
        %mul3A_67 = arith.mulf %mul3A_66, %gather3A_65 : vector<16xf32>
        %add3A_68 = arith.addf %add3A_58, %mul3A_67 : vector<16xf32>
        %scan3A_69 = arith.constant 3 : i32
        %scan3A_70 = arith.addi %scan3A_40, %scan3A_69 : i32
        %add3A_71 = vector.broadcast %scan3A_70 : i32 to vector<16xi32>
        %add3A_72 = arith.addi %mul3A_14, %add3A_71 : vector<16xi32>
        %gather3A_73 = tpu.vector_load_idx %arg12[%add3A_27, %add3A_72] : memref<256x128xf32, #tpu.memory_space<vmem>>[vector<16xi32>, vector<16xi32>], vector<16xf32>,
        %gather3A_74 = tpu.vector_load_idx %arg13[%add3A_27, %add3A_72] : memref<256x128xf32, #tpu.memory_space<vmem>>[vector<16xi32>, vector<16xi32>], vector<16xf32>,
        %gather3A_75 = tpu.vector_load_idx %arg14[%add3A_27, %add3A_72] : memref<256x128xf32, #tpu.memory_space<vmem>>[vector<16xi32>, vector<16xi32>], vector<16xf32>,
        %mul3A_76 = arith.mulf %gather3A_73, %gather3A_74 : vector<16xf32>
        %mul3A_77 = arith.mulf %mul3A_76, %gather3A_75 : vector<16xf32>
        %add3A_78 = arith.addf %add3A_68, %mul3A_77 : vector<16xf32>
        %scan3A_79 = arith.constant 4 : i32
        %scan3A_80 = arith.addi %scan3A_40, %scan3A_79 : i32
        %add3A_81 = vector.broadcast %scan3A_80 : i32 to vector<16xi32>
        %add3A_82 = arith.addi %mul3A_14, %add3A_81 : vector<16xi32>
        %gather3A_83 = tpu.vector_load_idx %arg12[%add3A_27, %add3A_82] : memref<256x128xf32, #tpu.memory_space<vmem>>[vector<16xi32>, vector<16xi32>], vector<16xf32>,
        %gather3A_84 = tpu.vector_load_idx %arg13[%add3A_27, %add3A_82] : memref<256x128xf32, #tpu.memory_space<vmem>>[vector<16xi32>, vector<16xi32>], vector<16xf32>,
        %gather3A_85 = tpu.vector_load_idx %arg14[%add3A_27, %add3A_82] : memref<256x128xf32, #tpu.memory_space<vmem>>[vector<16xi32>, vector<16xi32>], vector<16xf32>,
        %mul3A_86 = arith.mulf %gather3A_83, %gather3A_84 : vector<16xf32>
        %mul3A_87 = arith.mulf %mul3A_86, %gather3A_85 : vector<16xf32>
        %add3A_88 = arith.addf %add3A_78, %mul3A_87 : vector<16xf32>
        %scan3A_89 = arith.constant 5 : i32
        %scan3A_90 = arith.addi %scan3A_40, %scan3A_89 : i32
        %add3A_91 = vector.broadcast %scan3A_90 : i32 to vector<16xi32>
        %add3A_92 = arith.addi %mul3A_14, %add3A_91 : vector<16xi32>
        %gather3A_93 = tpu.vector_load_idx %arg12[%add3A_27, %add3A_92] : memref<256x128xf32, #tpu.memory_space<vmem>>[vector<16xi32>, vector<16xi32>], vector<16xf32>,
        %gather3A_94 = tpu.vector_load_idx %arg13[%add3A_27, %add3A_92] : memref<256x128xf32, #tpu.memory_space<vmem>>[vector<16xi32>, vector<16xi32>], vector<16xf32>,
        %gather3A_95 = tpu.vector_load_idx %arg14[%add3A_27, %add3A_92] : memref<256x128xf32, #tpu.memory_space<vmem>>[vector<16xi32>, vector<16xi32>], vector<16xf32>,
        %mul3A_96 = arith.mulf %gather3A_93, %gather3A_94 : vector<16xf32>
        %mul3A_97 = arith.mulf %mul3A_96, %gather3A_95 : vector<16xf32>
        %add3A_98 = arith.addf %add3A_88, %mul3A_97 : vector<16xf32>
        %scan3A_99 = arith.constant 6 : i32
        %scan3A_100 = arith.addi %scan3A_40, %scan3A_99 : i32
        %add3A_101 = vector.broadcast %scan3A_100 : i32 to vector<16xi32>
        %add3A_102 = arith.addi %mul3A_14, %add3A_101 : vector<16xi32>
        %gather3A_103 = tpu.vector_load_idx %arg12[%add3A_27, %add3A_102] : memref<256x128xf32, #tpu.memory_space<vmem>>[vector<16xi32>, vector<16xi32>], vector<16xf32>,
        %gather3A_104 = tpu.vector_load_idx %arg13[%add3A_27, %add3A_102] : memref<256x128xf32, #tpu.memory_space<vmem>>[vector<16xi32>, vector<16xi32>], vector<16xf32>,
        %gather3A_105 = tpu.vector_load_idx %arg14[%add3A_27, %add3A_102] : memref<256x128xf32, #tpu.memory_space<vmem>>[vector<16xi32>, vector<16xi32>], vector<16xf32>,
        %mul3A_106 = arith.mulf %gather3A_103, %gather3A_104 : vector<16xf32>
        %mul3A_107 = arith.mulf %mul3A_106, %gather3A_105 : vector<16xf32>
        %add3A_108 = arith.addf %add3A_98, %mul3A_107 : vector<16xf32>
        %scan3A_109 = arith.constant 7 : i32
        %scan3A_110 = arith.addi %scan3A_40, %scan3A_109 : i32
        %add3A_111 = vector.broadcast %scan3A_110 : i32 to vector<16xi32>
        %add3A_112 = arith.addi %mul3A_14, %add3A_111 : vector<16xi32>
        %gather3A_113 = tpu.vector_load_idx %arg12[%add3A_27, %add3A_112] : memref<256x128xf32, #tpu.memory_space<vmem>>[vector<16xi32>, vector<16xi32>], vector<16xf32>,
        %gather3A_114 = tpu.vector_load_idx %arg13[%add3A_27, %add3A_112] : memref<256x128xf32, #tpu.memory_space<vmem>>[vector<16xi32>, vector<16xi32>], vector<16xf32>,
        %gather3A_115 = tpu.vector_load_idx %arg14[%add3A_27, %add3A_112] : memref<256x128xf32, #tpu.memory_space<vmem>>[vector<16xi32>, vector<16xi32>], vector<16xf32>,
        %mul3A_116 = arith.mulf %gather3A_113, %gather3A_114 : vector<16xf32>
        %mul3A_117 = arith.mulf %mul3A_116, %gather3A_115 : vector<16xf32>
        %add3A_118 = arith.addf %add3A_108, %mul3A_117 : vector<16xf32>
        scf.yield %add3A_118 : vector<16xf32>
      }
      %scan3A_35 = arith.constant 64 : i32
      %mul3A_36 = arith.constant 16 : i32
      %mul3A_37 = arith.muli %scan3A_22, %mul3A_36 : i32
      %swap3A = arith.index_cast %mul3A_37 : i32 to index
      %swap3A_38 = tpu.vector_load %arg15[%swap3A] {strides = array<i32>} : memref<512xf32, #tpu.memory_space<vmem>>, vector<16xf32>,
      tpu.vector_store %arg15[%swap3A], %scan3A_34 {strides = array<i32>} : memref<512xf32, #tpu.memory_space<vmem>>, vector<16xf32>,
      %scan3A_39 = arith.constant 0 : i32
      scf.yield %scan3A_39 : i32
    }
    %scan3A_21 = arith.constant 32 : i32
    "tpu.region"() ({
      %run_scoped3A = tpu.sem_alloc : memref<!tpu.dma_semaphore, #tpu.memory_space<semaphore_mem>>
      %dma_start3A = tpu.memref_slice %arg8[%mul3A_2] : memref<16384xf32, #tpu.memory_space<hbm>> -> memref<512xf32, #tpu.memory_space<hbm>>
      %dma_start3A_22 = tpu.memref_slice %arg8[%mul3A_2] : memref<16384xf32, #tpu.memory_space<hbm>> -> memref<512xf32, #tpu.memory_space<hbm>>
      tpu.enqueue_dma source(%arg15 : memref<512xf32, #tpu.memory_space<vmem>>) target(%dma_start3A_22 : memref<512xf32, #tpu.memory_space<hbm>>) target_semaphore(%run_scoped3A : memref<!tpu.dma_semaphore, #tpu.memory_space<semaphore_mem>>)
      %dma_wait3A = tpu.memref_slice %arg8[%mul3A_2] : memref<16384xf32, #tpu.memory_space<hbm>> -> memref<512xf32, #tpu.memory_space<hbm>>
      %dma_wait3A_23 = tpu.memref_slice %arg8[%mul3A_2] : memref<16384xf32, #tpu.memory_space<hbm>> -> memref<512xf32, #tpu.memory_space<hbm>>
      tpu.wait_dma2 semaphore(%run_scoped3A : memref<!tpu.dma_semaphore, #tpu.memory_space<semaphore_mem>>) src(%arg15 : memref<512xf32, #tpu.memory_space<vmem>>) dst(%dma_wait3A_23 : memref<512xf32, #tpu.memory_space<hbm>>)
      tpu.yield
    }) : () -> ()
    return
  }
}

</mosaic_0001>

<sc_bundles>
// kernel: kernel.3.cloned.1.call-start
scs
__scs_entry_jumppad:
0x0: {  	(pc) =	sbr.rel $0x88, $3  }
0x1: {  	(tag) =	ssettag $0x0;
	lr =	simm.s32 $0x1  }
0x2: {  	[smem:$0x3F9C] =	sst lr;
	_ =	strace $0xD0000000  }
0x3: {  	_ = 	snop  }
0x4: {  	_ = 	snop  }
0x5: {  	_ = 	snop  }
0x6: {  	_ = 	snop  }
0x7: {  	_ = 	snop  }
__scs_overlays_trampoline_lowered:
0x8: {  	[smem:$0x3FAB] =	sst s0  }
0x9: {  	[smem:$0x3FAC] =	sst s1  }
0xa: {  	[smem:$0x3FAD] =	sst s2  }
0xb: {  	[smem:$0x3FAE] =	sst s3  }
0xc: {  	[smem:$0x3FAF] =	sst s4  }
0xd: {  	[smem:$0x3FB0] =	sst s5  }
0xe: {  	[smem:$0x3FB1] =	sst s6  }
0xf: {  	[smem:$0x3FB2] =	sst s7  }
0x10: {  	[smem:$0x3FB3] =	sst s8  }
0x11: {  	[smem:$0x3FB4] =	sst s9;
	s0 =	simm.s32 @!p0 $0x0  }
0x12: {  	s1 =	sld [smem:$0x3F9A];
	s0 =	simm.s32 @p0 $0x1  }
0x13: {  	[smem:$0x3FB5] =	sst s0;
	s0 =	simm.s32 @!p1 $0x0  }
0x14: {  	s2 =	sld [smem:$0x3F99];
	s0 =	simm.s32 @p1 $0x1  }
0x15: {  	[smem:$0x3FB6] =	sst s0;
	s0 =	simm.s32 @!p2 $0x0  }
0x16: {  	s3 =	sld [smem:$0x3FDB];
	s0 =	simm.s32 @p2 $0x1  }
0x17: {  	s4 =	simm.s32 $0x1BF5;
	[smem:$0x3FB8] =	sst s0  }
0x18: {  	s0 =	sld [smem:$0x3F9B];
	_ =	swait.ge [sflag:s4], $0x0  }
0x19: {  	s7 =	sld [smem:$0x3F9C]  }
0x1a: {  	s8 =	sadd.s32 $0xFFFFE003, lr  }
0x1b: {  	s9 =	sadd.s32 $0xFFFFFEF7, lr;
	s5 =	simm.s32 $0xFFFFFFFF;
	p2 =	slt.u32 s8, $0xFFFFF086  }
0x1c: {  	p1 =	slt.u32 s9, $0xF7A;
	s5 =	simm.s32 @!p2 $0x0  }
0x1d: {  	s5 =	simm.s32 @p1 $0x1;
	p0 =	seq.s32 s7, s2  }
0x1e: {  	s7 =	smul.u32 @!p0 $0xF7A, s2;
	p2 =	seq.s32 @!p0 s5, $0x0  }
0x1f: {  	s9 =	smul.u32 $0xF7A, s1;
	s8 =	simm.s32 @!p0 $0x1BF5;
	p2 =	por !p2, p0  }
0x20: {  	[sflag:s8] =	ssyncset.s32 @!p0 $0xFFFFF086;
	s6 =	sadd.s32 @!p0 s3, s7;
	s7 =	simm.s32 @!p0 $0x108  }
0x21: {  	s3 =	sadd.s32 s3, s9;
	s6 =	sadd.s32 @!p0 $0x88, s6;
	s7 =	simm.s32 @p2 $0x1082  }
0x22: {  	[simem:s7], [sflag:s8] =	dma.local @!p0 [hbm:s6], $0xF7A  }
0x23: {  	s9 =	sor.u32 $0xD0000000, s2;
	s6 =	simm.s32 $0x108;
	_ =	swait.ge @!p0 [sflag:s8], $0x0  }
0x24: {  	s3 =	sadd.s32 $0x88, s3;
	s6 =	simm.s32 @!p1 $0x1082;
	[sflag:s4] =	ssyncset.s32 $0xFFFFF086  }
0x25: {  	[simem:s6], [sflag:s4] =	dma.local [hbm:s3], $0xF7A  }
0x26: {  	[smem:$0x3F9C] =	sst s1;
	(tag) =	ssettag s2;
	_ =	strace s9  }
0x27: {  	s1 =	sld [smem:$0x3FAC]  }
0x28: {  	s2 =	sld [smem:$0x3FAD]  }
0x29: {  	s4 =	sld [smem:$0x3FAF]  }
0x2a: {  	p0 =	seq.s32 s5, $0x0;
	s5 =	sld [smem:$0x3FB0]  }
0x2b: {  	s6 =	sld [smem:$0x3FB1]  }
0x2c: {  	s7 =	sld [smem:$0x3FB2]  }
0x2d: {  	s3 =	simm.s32 $0x108;
	s8 =	sld [smem:$0x3FB3]  }
0x2e: {  	s3 =	simm.s32 @!p0 $0x1082;
	s9 =	sld [smem:$0x3FB4]  }
0x2f: {  	lr =	sadd.s32 s0, s3;
	s0 =	sld [smem:$0x3FAB]  }
0x30: {  	s3 =	sld [smem:$0x3FAE]  }
0x31: {  	[smem:$0x3FB7] =	sst s10  }
0x32: {  	s10 =	sld [smem:$0x3FB5];
	_ =	sdelay $0x3  }
0x33: {  	p0 =	seq.s32 s10, $0x1;
	s10 =	sld [smem:$0x3FB7];
	_ =	sdelay $0x3  }
0x34: {  	[smem:$0x3FB7] =	sst s10  }
0x35: {  	s10 =	sld [smem:$0x3FB6];
	_ =	sdelay $0x3  }
0x36: {  	p1 =	seq.s32 s10, $0x1;
	s10 =	sld [smem:$0x3FB7];
	_ =	sdelay $0x3  }
0x37: {  	[smem:$0x3FB7] =	sst s10  }
0x38: {  	s10 =	sld [smem:$0x3FB8]  }
0x39: {  	_ = 	snop;
	(pc) =	sbr.ind lr, $3  }
0x3a: {  	_ = 	snop  }
0x3b: {  	_ = 	snop  }
0x3c: {  	p2 =	seq.s32 s10, $0x1;
	s10 =	sld [smem:$0x3FB7]  }
0x3d: {  	_ =	shalt  }
0x3e: {  	_ =	shalt  }
0x3f: {  	_ =	shalt  }
0x40: {  	_ =	shalt  }
0x41: {  	_ =	shalt  }
0x42: {  	_ =	shalt  }
0x43: {  	_ =	shalt  }
0x44: {  	_ =	shalt  }
0x45: {  	_ =	shalt  }
0x46: {  	_ =	shalt  }
0x47: {  	_ =	shalt  }
0x48: {  	_ =	shalt  }
0x49: {  	_ =	shalt  }
0x4a: {  	_ =	shalt  }
0x4b: {  	_ =	shalt  }
0x4c: {  	_ =	shalt  }
0x4d: {  	_ =	shalt  }
0x4e: {  	_ =	shalt  }
0x4f: {  	_ =	shalt  }
0x50: {  	_ =	shalt  }
0x51: {  	_ =	shalt  }
0x52: {  	_ =	shalt  }
0x53: {  	_ =	shalt  }
0x54: {  	_ =	shalt  }
0x55: {  	_ =	shalt  }
0x56: {  	_ =	shalt  }
0x57: {  	_ =	shalt  }
0x58: {  	_ =	shalt  }
0x59: {  	_ =	shalt  }
0x5a: {  	_ =	shalt  }
0x5b: {  	_ =	shalt  }
0x5c: {  	_ =	shalt  }
0x5d: {  	_ =	shalt  }
0x5e: {  	_ =	shalt  }
0x5f: {  	_ =	shalt  }
0x60: {  	_ =	shalt  }
0x61: {  	_ =	shalt  }
0x62: {  	_ =	shalt  }
0x63: {  	_ =	shalt  }
0x64: {  	_ =	shalt  }
0x65: {  	_ =	shalt  }
0x66: {  	_ =	shalt  }
0x67: {  	_ =	shalt  }
0x68: {  	_ =	shalt  }
0x69: {  	_ =	shalt  }
0x6a: {  	_ =	shalt  }
0x6b: {  	_ =	shalt  }
0x6c: {  	_ =	shalt  }
0x6d: {  	_ =	shalt  }
0x6e: {  	_ =	shalt  }
0x6f: {  	_ =	shalt  }
0x70: {  	_ =	shalt  }
0x71: {  	_ =	shalt  }
0x72: {  	_ =	shalt  }
0x73: {  	_ =	shalt  }
0x74: {  	_ =	shalt  }
0x75: {  	_ =	shalt  }
0x76: {  	_ =	shalt  }
0x77: {  	_ =	shalt  }
0x78: {  	_ =	shalt  }
0x79: {  	_ =	shalt  }
0x7a: {  	_ =	shalt  }
0x7b: {  	_ =	shalt  }
0x7c: {  	_ =	shalt  }
0x7d: {  	_ =	shalt  }
0x7e: {  	_ =	shalt  }
0x7f: {  	_ =	shalt  }
0x80: {  	_ =	shalt  }
0x81: {  	_ =	shalt  }
0x82: {  	_ =	shalt  }
0x83: {  	_ =	shalt  }
0x84: {  	_ =	shalt  }
0x85: {  	_ =	shalt  }
0x86: {  	_ =	shalt  }
0x87: {  	_ =	shalt  }
.Lfunc_end0:
.L_simem_size_0:
called_computation_lowered:
.L_overlay_start_0:
0x88: {  	s2 =	sld [smem:$0x3FD9]  }
0x89: {  	s3 =	sld [smem:$0x3FFE];
	_ =	sdelay $0x1  }
0x8a: {  	s1 =	srdreg.scid  }
0x8b: {  	s0 =	sand.u32 $0x1, s1  }
0x8c: {  	s17 =	sshll.u32 s0, $0xA;
	s2 =	sadd.s32 s3, s2  }
0x8d: {  	s2 =	sadd.s32 s2, s17  }
0x8e: {  	[smem:$0x3FC3] =	sst s2  }
0x8f: {  	_ = 	snop  }
0x90: {  	s2 =	sld [smem:$0x3FC9]  }
0x91: {  	s18 =	sld [smem:$0x3FC8]  }
0x92: {  	s4 =	sld [smem:$0x3FC7]  }
0x93: {  	s5 =	sld [smem:$0x3FD0];
	(tm) =	ssettm $0x1  }
0x94: {  	s6 =	sld [smem:$0x3FFB];
	_ =	sdelay $0x3  }
0x95: {  	_ =	strace s6  }
0x96: {  	s6 =	sld [smem:$0x3FFC];
	_ =	sdelay $0x3  }
0x97: {  	_ =	strace s6  }
0x98: {  	s6 =	sld [smem:$0x3FFD];
	_ =	sdelay $0x3  }
0x99: {  	_ =	strace s6  }
0x9a: {  	_ =	strace $0x8FFFFFFF  }
0x9b: {  	s19 =	sld [smem:$0x3FDB];
	_ =	sdelay $0x1  }
0x9c: {  	s7 =	simm.s32 $_scs_section_size  }
0x9d: {  	s8 =	simm.s32 $_size__tile_overlayer_lowered;
	s9 =	simm.s32 $_tile_overlayer_lowered  }
0x9e: {  	s22 =	simm.s32 $0x1BFF;
	s21 =	sshll.u32 s9, $0x1;
	s6 =	sadd.s32 s7, s19  }
0x9f: {  	s10 =	simm.s32 $0x0;
	s20 =	sshll.u32 s8, $0x1;
	s8 =	sadd.s32 s21, s6  }
0xa0: {  	[timem:s10], [sflag:s22] =	dma.local [hbm:s8], s20  }
0xa1: {  	_ =	swait.ge [sflag:s22], s20  }
0xa2: {  	s7 =	ssub.s32 $0x0, s20;
	[sflag:s22] =	ssyncset.done $0x0  }
0xa3: {  	[sflag:s22] =	ssyncadd.s32 s7;
	_ =	sdelay $0x1  }
0xa4: {  	s23 =	simm.s32 $0x1B8B  }
0xa5: {  	_ =	swait.ge [sflag:s23], $0x1  }
0xa6: {  	[sflag:s23] =	ssyncset.done $0x0  }
0xa7: {  	s25 =	simm.s32 $0x1B8E;
	s24 =	sld [smem:$0x3FFE];
	[sflag:s23] =	ssyncadd.s32 $0xFFFFFFFF  }
0xa8: {  	s26 =	simm.s32 $execute0_lowered;
	[smem:$0x3FD2] =	sst s25  }
0xa9: {  	s8 =	sshll.u32 s26, $0x1;
	_ =	strace $0x80000046;
	[dreg:$0x1] =	wrdreg $0xFFFFFFFF  }
0xaa: {  	s28 =	simm.s32 $_size_execute0_lowered;
	s6 =	sadd.s32 s6, s8;
	[dreg:$0x0] =	wrdreg $0x0  }
0xab: {  	s8 =	sshll.u32 s28, $0x1;
	[dreg:$0x2] =	wrdreg s6  }
0xac: {  	[dreg:$0x3] =	wrdreg s8  }
0xad: {  	[dreg:$0x4] =	wrdreg $0xC0  }
0xae: {  	_ =	task [dreg:s10], $0x5FFFF  }
0xaf: {  	[dreg:$0x1] =	wrdreg $0xFFFFFFFF  }
0xb0: {  	[dreg:$0x0] =	wrdreg $0x60  }
0xb1: {  	[dreg:$0x2] =	wrdreg s2  }
0xb2: {  	[dreg:$0x3] =	wrdreg s18  }
0xb3: {  	[dreg:$0x4] =	wrdreg s4  }
0xb4: {  	[dreg:$0x5] =	wrdreg s24  }
0xb5: {  	[dreg:$0x6] =	wrdreg s5  }
0xb6: {  	[dreg:$0x7] =	wrdreg $0x9  }
0xb7: {  	_ =	task.clear_ibuf [dreg:s10], $0x8FFFF;
	_ =	strace $0x90000046  }
0xb8: {  	s29 =	simm.s32 $0x9;
	_ =	strace $0x80000048  }
0xb9: {  	_ =	swait.ge [sflag:s29], $0x1  }
0xba: {  	[sflag:s29] =	ssyncadd.s32 $0xFFFFFFFF  }
0xbb: {  	_ =	strace $0x90000048  }
0xbc: {  	_ =	sfence  }
0xbd: {  	s30 =	sld [smem:$0x0];
	_ =	sdelay $0x2  }
0xbe: {  	s31 =	sshll.u32 s1, $0xD;
	s1 =	sshrl.u32 s1, $0x2  }
0xbf: {  	s3 =	sand.u32 $0x4000, s31;
	s1 =	sadd.s32 s1, s30  }
0xc0: {  	s0 =	sor.u32 s3, s0;
	s1 =	sshll.u32 s1, $0x11  }
0xc1: {  	s0 =	sor.u32 s1, s0  }
0xc2: {  	s0 =	sadd.s32 $0x8F2B, s0  }
0xc3: {  	[sflag:s0] =	ssyncadd.remote.s32 $0x1  }
0xc4: {  	_ =	sfence.sel $0xFFFF  }
0xc5: {  	[dreg:$0x0] =	wrdreg $0xFFFFFFFF;
	(pc) =	sbr.abs _section_cstart, $3  }
0xc6: {  	[dreg:$0x1] =	wrdreg $0xFFFFFFFF  }
0xc7: {  	_ =	task.clear_ibuf [dreg:s10], $0x2FFFF;
	_ =	strace $0x9FFFFFFF  }
0xc8: {  	(tm) =	ssettm $0x7FFFFFFF  }
0xc9: {  	_ =	shalt  }
tec
execute0_lowered:
.L_overlay_start_1:
0x0: {  	(tag) =	ssettag $0x1  }
0x1: {  	s0 =	rddreg [dreg:$0x0]  }
0x2: {  	s2 =	rddreg [dreg:$0x1]  }
0x3: {  	s5 =	rddreg [dreg:$0x2]  }
0x4: {  	s4 =	rddreg [dreg:$0x3]  }
0x5: {  	s6 =	rddreg [dreg:$0x4];
	s1 =	simm.s32 $0x0  }
0x6: {  	s7 =	srdreg.scid;
	s9 =	stileid.u32;
	s11 =	simm.s32 $0x80  }
0x7: {  	s12 =	simm.s32 $0x400;
	s14 =	simm.s32 $0x600;
	s7 =	sand.u32 $0x1, s7  }
0x8: {  	s9 =	sshll.u32 s9, $0x7;
	s8 =	ssub.s32 $0x2, s7;
	s7 =	sshll.u32 s7, $0x6  }
0x9: {  	s15 =	simm.s32 $0x8600;
	s16 =	simm.s32 $0x10600;
	s7 =	sor.u32 s7, s9  }
0xa: {  	[smem:$0x7FF] =	sst s1;
	s3 =	sadd.s32 $0x4400, s4;
	s0 =	sadd.s32 s0, s7  }
0xb: {  	_ =	strace $0x80000047;
	s28 =	sadd.s32 s2, s7;
	[dreg:$0x8] =	wrdreg s0  }
0xc: {  	s10 =	sshrl.u32 s8, $0x1;
	s29 =	sadd.s32 s5, s7;
	[dreg:$0x9] =	wrdreg s28  }
0xd: {  	v0 =	vlaneseq.u32;
	s8 =	ssub.s32 s8, s10;
	s30 =	sadd.s32 s6, s7;
	[dreg:$0xa] =	wrdreg s29  }
0xe: {  	s4 =	sadd.s32 $0x400, s4;
	v1 =	vshrl.u32 v0, $0x1;
	v2 =	vand.u32 $0x1, v0;
	[dreg:$0xb] =	wrdreg s30;
	s31 =	smax.u32 s8, $0x1  }
0xf: {  	v0 =	vmul.u32 $0x80, v1;
	v1 =	vmul.u32 $0x40, v2;
	s5 =	simm.s32 $0x2;
	s2 =	simm.s32 $0x0;
	[dreg:$0xc] =	wrdreg s31  }
.LBB2_1:
0x10: {  	[dreg:$0xd] =	wrdreg s2  }
0x11: {  	s0 =	rddreg [dreg:$0x8]  }
0x12: {  	[tilespmem:s1], [sflag:$0x2] =	stream.linear.gather [hbm4b:s0+s1], $0x200, $0x38;
	[tilespmem:$0x18800] =	vst v63  }
0x13: {  	_ =	swait.ge [sflag:s5], $0x200  }
0x14: {  	[sflag:s5] =	ssyncset.done $0x0  }
0x15: {  	s6 =	simm.s32 $0x200;
	s7 =	rddreg [dreg:$0x9];
	[sflag:s5] =	ssyncadd.s32 $0xFFFFFE00  }
0x16: {  	[tilespmem:s6], [sflag:$0x2] =	stream.linear.gather [hbm4b:s7+s1], $0x200, $0x38;
	[tilespmem:$0x18800] =	vst v63  }
0x17: {  	_ =	swait.ge [sflag:s5], $0x200  }
0x18: {  	[sflag:s5] =	ssyncset.done $0x0  }
0x19: {  	s8 =	rddreg [dreg:$0xa];
	[sflag:s5] =	ssyncadd.s32 $0xFFFFFE00  }
0x1a: {  	[tilespmem:s12], [sflag:$0x2] =	stream.linear.gather [hbm4b:s8+s1], $0x200, $0x38;
	[tilespmem:$0x18800] =	vst v63  }
0x1b: {  	_ =	swait.ge [sflag:s5], $0x200  }
0x1c: {  	[sflag:s5] =	ssyncset.done $0x0  }
0x1d: {  	[sflag:s5] =	ssyncadd.s32 $0xFFFFFE00  }
0x1e: {  	v2 =	vld [tilespmem:s1+$0x0];
	_ =	sdelay $0x1  }
0x1f: {  	v3 =	vld [tilespmem:s6+$0x0];
	_ =	sdelay $0x2  }
0x20: {  	v4 =	vshll.u32 v2, $0x4  }
0x21: {  	v5 =	vld [tilespmem:s12+$0x0];
	(v2sf) =	vpush v4, $0x0  }
0x22: {  	v2 =	vshll.u32 v3, $0x4  }
0x23: {  	(v2sf) =	vpush v2, $0x0;
	_ =	sdelay $0x1  }
0x24: {  	(v2sf) =	vpush v4, $0x1  }
0x25: {  	v3 =	vshll.u32 v5, $0x4  }
0x26: {  	(v2sf) =	vpush v3, $0x0;
	_ =	sdelay $0x5  }
0x27: {  	(v2sf) =	vpush v4, $0x2;
	_ =	sdelay $0x1  }
0x28: {  	(v2sf) =	vpush v2, $0x1  }
0x29: {  	s9 =	spop (v2sf)  }
0x2a: {  	s0 =	sand.u32 $0x1FFFFFF0, s9  }
0x2b: {  	s13 =	simm.s32 $0x600;
	s10 =	spop (v2sf);
	s0 =	sadd.s32 s3, s0  }
0x2c: {  	(v2sf) =	vpush v3, $0x1;
	[tilespmem:s13], [sflag:$0x1] =	stream.strided.gather [hbm4b:s0+s11], $0x0, s12, s11, $0x38;
	[tilespmem:$0x18800] =	vst v63  }
0x2d: {  	s2 =	sand.u32 $0x1FFFFFF0, s10;
	s6 =	spop (v2sf)  }
0x2e: {  	[tilespmem:s13], [sflag:$0x1] =	stream.linear.gather [hbm4b:s0+s1], $0x40, $0x38;
	[tilespmem:$0x18800] =	vst v63  }
0x2f: {  	s17 =	simm.s32 $0x8600;
	s2 =	sadd.s32 s3, s2;
	s18 =	spop (v2sf)  }
0x30: {  	[tilespmem:s17], [sflag:$0x1] =	stream.strided.gather [hbm4b:s2+s11], $0x0, s12, s11, $0x38;
	[tilespmem:$0x18800] =	vst v63  }
0x31: {  	s5 =	sand.u32 $0x1FFFFFF0, s18  }
0x32: {  	[tilespmem:s17], [sflag:$0x1] =	stream.linear.gather [hbm4b:s2+s1], $0x40, $0x38;
	[tilespmem:$0x18800] =	vst v63  }
0x33: {  	s19 =	simm.s32 $0x10600;
	s20 =	sadd.s32 s4, s5  }
0x34: {  	(v2sf) =	vpush v2, $0x2;
	[tilespmem:s19], [sflag:$0x1] =	stream.strided.gather [hbm4b:s20+s11], $0x0, s12, s11, $0x38;
	[tilespmem:$0x18800] =	vst v63  }
0x35: {  	s21 =	sand.u32 $0x1FFFFFF0, s6;
	s22 =	spop (v2sf)  }
0x36: {  	[tilespmem:s19], [sflag:$0x1] =	stream.linear.gather [hbm4b:s20+s1], $0x40, $0x38;
	[tilespmem:$0x18800] =	vst v63  }
0x37: {  	s23 =	simm.s32 $0x640;
	s24 =	spop (v2sf);
	s5 =	sadd.s32 s3, s21  }
0x38: {  	(v2sf) =	vpush v3, $0x2;
	[tilespmem:s23], [sflag:$0x1] =	stream.strided.gather [hbm4b:s5+s11], $0x0, s12, s11, $0x38;
	[tilespmem:$0x18800] =	vst v63  }
0x39: {  	s2 =	sand.u32 $0x1FFFFFF0, s24  }
0x3a: {  	[tilespmem:s23], [sflag:$0x1] =	stream.linear.gather [hbm4b:s5+s1], $0x40, $0x38;
	[tilespmem:$0x18800] =	vst v63  }
0x3b: {  	s26 =	simm.s32 $0x8640;
	s2 =	sadd.s32 s3, s2;
	s25 =	spop (v2sf)  }
0x3c: {  	(v2sf) =	vpush v4, $0x3;
	[tilespmem:s26], [sflag:$0x1] =	stream.strided.gather [hbm4b:s2+s11], $0x0, s12, s11, $0x38;
	[tilespmem:$0x18800] =	vst v63  }
0x3d: {  	s0 =	sand.u32 $0x1FFFFFF0, s25  }
0x3e: {  	(v2sf) =	vpush v2, $0x3;
	[tilespmem:s26], [sflag:$0x1] =	stream.linear.gather [hbm4b:s2+s1], $0x40, $0x38;
	[tilespmem:$0x18800] =	vst v63  }
0x3f: {  	s28 =	simm.s32 $0x10640;
	s0 =	sadd.s32 s4, s0  }
0x40: {  	[tilespmem:s28], [sflag:$0x1] =	stream.strided.gather [hbm4b:s0+s11], $0x0, s12, s11, $0x38;
	[tilespmem:$0x18800] =	vst v63  }
0x41: {  	s29 =	sand.u32 $0x1FFFFFF0, s22  }
0x42: {  	[tilespmem:s28], [sflag:$0x1] =	stream.linear.gather [hbm4b:s0+s1], $0x40, $0x38;
	[tilespmem:$0x18800] =	vst v63  }
0x43: {  	s31 =	simm.s32 $0x680;
	s30 =	spop (v2sf);
	s5 =	sadd.s32 s3, s29  }
0x44: {  	(v2sf) =	vpush v3, $0x3;
	[tilespmem:s31], [sflag:$0x1] =	stream.strided.gather [hbm4b:s5+s11], $0x0, s12, s11, $0x38;
	[tilespmem:$0x18800] =	vst v63  }
0x45: {  	s0 =	sand.u32 $0x1FFFFFF0, s30  }
0x46: {  	[tilespmem:s31], [sflag:$0x1] =	stream.linear.gather [hbm4b:s5+s1], $0x40, $0x38;
	[tilespmem:$0x18800] =	vst v63  }
0x47: {  	s7 =	simm.s32 $0x8680;
	s6 =	spop (v2sf);
	s0 =	sadd.s32 s3, s0  }
0x48: {  	(v2sf) =	vpush v4, $0x4;
	[tilespmem:s7], [sflag:$0x1] =	stream.strided.gather [hbm4b:s0+s11], $0x0, s12, s11, $0x38;
	[tilespmem:$0x18800] =	vst v63  }
0x49: {  	s2 =	sand.u32 $0x1FFFFFF0, s6  }
0x4a: {  	(v2sf) =	vpush v2, $0x4;
	[tilespmem:s7], [sflag:$0x1] =	stream.linear.gather [hbm4b:s0+s1], $0x40, $0x38;
	[tilespmem:$0x18800] =	vst v63  }
0x4b: {  	s9 =	simm.s32 $0x10680;
	s8 =	spop (v2sf);
	s2 =	sadd.s32 s4, s2  }
0x4c: {  	[tilespmem:s9], [sflag:$0x1] =	stream.strided.gather [hbm4b:s2+s11], $0x0, s12, s11, $0x38;
	[tilespmem:$0x18800] =	vst v63  }
0x4d: {  	s10 =	spop (v2sf);
	s0 =	sand.u32 $0x1FFFFFF0, s8  }
0x4e: {  	(v2sf) =	vpush v3, $0x4;
	[tilespmem:s9], [sflag:$0x1] =	stream.linear.gather [hbm4b:s2+s1], $0x40, $0x38;
	[tilespmem:$0x18800] =	vst v63  }
0x4f: {  	s13 =	simm.s32 $0x6C0;
	s0 =	sadd.s32 s3, s0  }
0x50: {  	[tilespmem:s13], [sflag:$0x1] =	stream.strided.gather [hbm4b:s0+s11], $0x0, s12, s11, $0x38;
	[tilespmem:$0x18800] =	vst v63  }
0x51: {  	s2 =	sand.u32 $0x1FFFFFF0, s10  }
0x52: {  	[tilespmem:s13], [sflag:$0x1] =	stream.linear.gather [hbm4b:s0+s1], $0x40, $0x38;
	[tilespmem:$0x18800] =	vst v63  }
0x53: {  	s18 =	simm.s32 $0x86C0;
	s17 =	spop (v2sf);
	s2 =	sadd.s32 s3, s2  }
0x54: {  	(v2sf) =	vpush v4, $0x5;
	[tilespmem:s18], [sflag:$0x1] =	stream.strided.gather [hbm4b:s2+s11], $0x0, s12, s11, $0x38;
	[tilespmem:$0x18800] =	vst v63  }
0x55: {  	s0 =	sand.u32 $0x1FFFFFF0, s17  }
0x56: {  	[tilespmem:s18], [sflag:$0x1] =	stream.linear.gather [hbm4b:s2+s1], $0x40, $0x38;
	[tilespmem:$0x18800] =	vst v63  }
0x57: {  	s20 =	simm.s32 $0x106C0;
	s19 =	spop (v2sf);
	s0 =	sadd.s32 s4, s0  }
0x58: {  	(v2sf) =	vpush v2, $0x5;
	[tilespmem:s20], [sflag:$0x1] =	stream.strided.gather [hbm4b:s0+s11], $0x0, s12, s11, $0x38;
	[tilespmem:$0x18800] =	vst v63  }
0x59: {  	s21 =	spop (v2sf);
	s2 =	sand.u32 $0x1FFFFFF0, s19  }
0x5a: {  	(v2sf) =	vpush v3, $0x5;
	[tilespmem:s20], [sflag:$0x1] =	stream.linear.gather [hbm4b:s0+s1], $0x40, $0x38;
	[tilespmem:$0x18800] =	vst v63  }
0x5b: {  	s22 =	simm.s32 $0x700;
	s2 =	sadd.s32 s3, s2  }
0x5c: {  	[tilespmem:s22], [sflag:$0x1] =	stream.strided.gather [hbm4b:s2+s11], $0x0, s12, s11, $0x38;
	[tilespmem:$0x18800] =	vst v63  }
0x5d: {  	s23 =	spop (v2sf);
	s0 =	sand.u32 $0x1FFFFFF0, s21  }
0x5e: {  	(v2sf) =	vpush v4, $0x6;
	[tilespmem:s22], [sflag:$0x1] =	stream.linear.gather [hbm4b:s2+s1], $0x40, $0x38;
	[tilespmem:$0x18800] =	vst v63  }
0x5f: {  	s24 =	simm.s32 $0x8700;
	s0 =	sadd.s32 s3, s0  }
0x60: {  	[tilespmem:s24], [sflag:$0x1] =	stream.strided.gather [hbm4b:s0+s11], $0x0, s12, s11, $0x38;
	[tilespmem:$0x18800] =	vst v63  }
0x61: {  	s2 =	sand.u32 $0x1FFFFFF0, s23  }
0x62: {  	[tilespmem:s24], [sflag:$0x1] =	stream.linear.gather [hbm4b:s0+s1], $0x40, $0x38;
	[tilespmem:$0x18800] =	vst v63  }
0x63: {  	s26 =	simm.s32 $0x10700;
	s25 =	spop (v2sf);
	s2 =	sadd.s32 s4, s2  }
0x64: {  	(v2sf) =	vpush v2, $0x6;
	[tilespmem:s26], [sflag:$0x1] =	stream.strided.gather [hbm4b:s2+s11], $0x0, s12, s11, $0x38;
	[tilespmem:$0x18800] =	vst v63  }
0x65: {  	s0 =	sand.u32 $0x1FFFFFF0, s25  }
0x66: {  	[tilespmem:s26], [sflag:$0x1] =	stream.linear.gather [hbm4b:s2+s1], $0x40, $0x38;
	[tilespmem:$0x18800] =	vst v63  }
0x67: {  	s29 =	simm.s32 $0x740;
	s28 =	spop (v2sf);
	s0 =	sadd.s32 s3, s0  }
0x68: {  	(v2sf) =	vpush v3, $0x6;
	[tilespmem:s29], [sflag:$0x1] =	stream.strided.gather [hbm4b:s0+s11], $0x0, s12, s11, $0x38;
	[tilespmem:$0x18800] =	vst v63  }
0x69: {  	s30 =	spop (v2sf);
	s2 =	sand.u32 $0x1FFFFFF0, s28  }
0x6a: {  	(v2sf) =	vpush v4, $0x7;
	[tilespmem:s29], [sflag:$0x1] =	stream.linear.gather [hbm4b:s0+s1], $0x40, $0x38;
	[tilespmem:$0x18800] =	vst v63  }
0x6b: {  	s31 =	simm.s32 $0x8740;
	s2 =	sadd.s32 s3, s2  }
0x6c: {  	[tilespmem:s31], [sflag:$0x1] =	stream.strided.gather [hbm4b:s2+s11], $0x0, s12, s11, $0x38;
	[tilespmem:$0x18800] =	vst v63  }
0x6d: {  	s6 =	spop (v2sf);
	s0 =	sand.u32 $0x1FFFFFF0, s30  }
0x6e: {  	(v2sf) =	vpush v2, $0x7;
	[tilespmem:s31], [sflag:$0x1] =	stream.linear.gather [hbm4b:s2+s1], $0x40, $0x38;
	[tilespmem:$0x18800] =	vst v63  }
0x6f: {  	s7 =	simm.s32 $0x10740;
	s0 =	sadd.s32 s4, s0  }
0x70: {  	[tilespmem:s7], [sflag:$0x1] =	stream.strided.gather [hbm4b:s0+s11], $0x0, s12, s11, $0x38;
	[tilespmem:$0x18800] =	vst v63  }
0x71: {  	s2 =	sand.u32 $0x1FFFFFF0, s6  }
0x72: {  	[tilespmem:s7], [sflag:$0x1] =	stream.linear.gather [hbm4b:s0+s1], $0x40, $0x38;
	[tilespmem:$0x18800] =	vst v63  }
0x73: {  	s9 =	simm.s32 $0x780;
	s8 =	spop (v2sf);
	s2 =	sadd.s32 s3, s2  }
0x74: {  	(v2sf) =	vpush v3, $0x7;
	[tilespmem:s9], [sflag:$0x1] =	stream.strided.gather [hbm4b:s2+s11], $0x0, s12, s11, $0x38;
	[tilespmem:$0x18800] =	vst v63  }
0x75: {  	s0 =	sand.u32 $0x1FFFFFF0, s8  }
0x76: {  	[tilespmem:s9], [sflag:$0x1] =	stream.linear.gather [hbm4b:s2+s1], $0x40, $0x38;
	[tilespmem:$0x18800] =	vst v63  }
0x77: {  	s13 =	simm.s32 $0x8780;
	s10 =	spop (v2sf);
	s0 =	sadd.s32 s3, s0  }
0x78: {  	(v2sf) =	vpush v4, $0x8;
	[tilespmem:s13], [sflag:$0x1] =	stream.strided.gather [hbm4b:s0+s11], $0x0, s12, s11, $0x38;
	[tilespmem:$0x18800] =	vst v63  }
0x79: {  	s17 =	spop (v2sf);
	s2 =	sand.u32 $0x1FFFFFF0, s10  }
0x7a: {  	(v2sf) =	vpush v2, $0x8;
	[tilespmem:s13], [sflag:$0x1] =	stream.linear.gather [hbm4b:s0+s1], $0x40, $0x38;
	[tilespmem:$0x18800] =	vst v63  }
0x7b: {  	s18 =	simm.s32 $0x10780;
	s2 =	sadd.s32 s4, s2  }
0x7c: {  	[tilespmem:s18], [sflag:$0x1] =	stream.strided.gather [hbm4b:s2+s11], $0x0, s12, s11, $0x38;
	[tilespmem:$0x18800] =	vst v63  }
0x7d: {  	s19 =	spop (v2sf);
	s0 =	sand.u32 $0x1FFFFFF0, s17  }
0x7e: {  	(v2sf) =	vpush v3, $0x8;
	[tilespmem:s18], [sflag:$0x1] =	stream.linear.gather [hbm4b:s2+s1], $0x40, $0x38;
	[tilespmem:$0x18800] =	vst v63  }
0x7f: {  	s20 =	simm.s32 $0x7C0;
	s0 =	sadd.s32 s3, s0  }
0x80: {  	[tilespmem:s20], [sflag:$0x1] =	stream.strided.gather [hbm4b:s0+s11], $0x0, s12, s11, $0x38;
	[tilespmem:$0x18800] =	vst v63  }
0x81: {  	s2 =	sand.u32 $0x1FFFFFF0, s19  }
0x82: {  	[tilespmem:s20], [sflag:$0x1] =	stream.linear.gather [hbm4b:s0+s1], $0x40, $0x38;
	[tilespmem:$0x18800] =	vst v63  }
0x83: {  	s22 =	simm.s32 $0x87C0;
	s21 =	spop (v2sf);
	s2 =	sadd.s32 s3, s2  }
0x84: {  	(v2sf) =	vpush v4, $0x9;
	[tilespmem:s22], [sflag:$0x1] =	stream.strided.gather [hbm4b:s2+s11], $0x0, s12, s11, $0x38;
	[tilespmem:$0x18800] =	vst v63  }
0x85: {  	s0 =	sand.u32 $0x1FFFFFF0, s21  }
0x86: {  	[tilespmem:s22], [sflag:$0x1] =	stream.linear.gather [hbm4b:s2+s1], $0x40, $0x38;
	[tilespmem:$0x18800] =	vst v63  }
0x87: {  	s24 =	simm.s32 $0x107C0;
	s23 =	spop (v2sf);
	s0 =	sadd.s32 s4, s0  }
0x88: {  	(v2sf) =	vpush v2, $0x9;
	[tilespmem:s24], [sflag:$0x1] =	stream.strided.gather [hbm4b:s0+s11], $0x0, s12, s11, $0x38;
	[tilespmem:$0x18800] =	vst v63  }
0x89: {  	s25 =	spop (v2sf);
	s2 =	sand.u32 $0x1FFFFFF0, s23  }
0x8a: {  	(v2sf) =	vpush v3, $0x9;
	[tilespmem:s24], [sflag:$0x1] =	stream.linear.gather [hbm4b:s0+s1], $0x40, $0x38;
	[tilespmem:$0x18800] =	vst v63  }
0x8b: {  	s26 =	simm.s32 $0x800;
	s2 =	sadd.s32 s3, s2  }
0x8c: {  	[tilespmem:s26], [sflag:$0x1] =	stream.strided.gather [hbm4b:s2+s11], $0x0, s12, s11, $0x38;
	[tilespmem:$0x18800] =	vst v63  }
0x8d: {  	s28 =	spop (v2sf);
	s0 =	sand.u32 $0x1FFFFFF0, s25  }
0x8e: {  	(v2sf) =	vpush v4, $0xA;
	[tilespmem:s26], [sflag:$0x1] =	stream.linear.gather [hbm4b:s2+s1], $0x40, $0x38;
	[tilespmem:$0x18800] =	vst v63  }
0x8f: {  	s29 =	simm.s32 $0x8800;
	s0 =	sadd.s32 s3, s0  }
0x90: {  	[tilespmem:s29], [sflag:$0x1] =	stream.strided.gather [hbm4b:s0+s11], $0x0, s12, s11, $0x38;
	[tilespmem:$0x18800] =	vst v63  }
0x91: {  	s2 =	sand.u32 $0x1FFFFFF0, s28  }
0x92: {  	[tilespmem:s29], [sflag:$0x1] =	stream.linear.gather [hbm4b:s0+s1], $0x40, $0x38;
	[tilespmem:$0x18800] =	vst v63  }
0x93: {  	s31 =	simm.s32 $0x10800;
	s30 =	spop (v2sf);
	s2 =	sadd.s32 s4, s2  }
0x94: {  	(v2sf) =	vpush v2, $0xA;
	[tilespmem:s31], [sflag:$0x1] =	stream.strided.gather [hbm4b:s2+s11], $0x0, s12, s11, $0x38;
	[tilespmem:$0x18800] =	vst v63  }
0x95: {  	s0 =	sand.u32 $0x1FFFFFF0, s30  }
0x96: {  	[tilespmem:s31], [sflag:$0x1] =	stream.linear.gather [hbm4b:s2+s1], $0x40, $0x38;
	[tilespmem:$0x18800] =	vst v63  }
0x97: {  	s7 =	simm.s32 $0x840;
	s6 =	spop (v2sf);
	s0 =	sadd.s32 s3, s0  }
0x98: {  	(v2sf) =	vpush v3, $0xA;
	[tilespmem:s7], [sflag:$0x1] =	stream.strided.gather [hbm4b:s0+s11], $0x0, s12, s11, $0x38;
	[tilespmem:$0x18800] =	vst v63  }
0x99: {  	s8 =	spop (v2sf);
	s2 =	sand.u32 $0x1FFFFFF0, s6  }
0x9a: {  	(v2sf) =	vpush v4, $0xB;
	[tilespmem:s7], [sflag:$0x1] =	stream.linear.gather [hbm4b:s0+s1], $0x40, $0x38;
	[tilespmem:$0x18800] =	vst v63  }
0x9b: {  	s9 =	simm.s32 $0x8840;
	s2 =	sadd.s32 s3, s2  }
0x9c: {  	[tilespmem:s9], [sflag:$0x1] =	stream.strided.gather [hbm4b:s2+s11], $0x0, s12, s11, $0x38;
	[tilespmem:$0x18800] =	vst v63  }
0x9d: {  	s10 =	spop (v2sf);
	s0 =	sand.u32 $0x1FFFFFF0, s8  }
0x9e: {  	(v2sf) =	vpush v2, $0xB;
	[tilespmem:s9], [sflag:$0x1] =	stream.linear.gather [hbm4b:s2+s1], $0x40, $0x38;
	[tilespmem:$0x18800] =	vst v63  }
0x9f: {  	s13 =	simm.s32 $0x10840;
	s0 =	sadd.s32 s4, s0  }
0xa0: {  	[tilespmem:s13], [sflag:$0x1] =	stream.strided.gather [hbm4b:s0+s11], $0x0, s12, s11, $0x38;
	[tilespmem:$0x18800] =	vst v63  }
0xa1: {  	s2 =	sand.u32 $0x1FFFFFF0, s10  }
0xa2: {  	[tilespmem:s13], [sflag:$0x1] =	stream.linear.gather [hbm4b:s0+s1], $0x40, $0x38;
	[tilespmem:$0x18800] =	vst v63  }
0xa3: {  	s18 =	simm.s32 $0x880;
	s17 =	spop (v2sf);
	s2 =	sadd.s32 s3, s2  }
0xa4: {  	(v2sf) =	vpush v3, $0xB;
	[tilespmem:s18], [sflag:$0x1] =	stream.strided.gather [hbm4b:s2+s11], $0x0, s12, s11, $0x38;
	[tilespmem:$0x18800] =	vst v63  }
0xa5: {  	s0 =	sand.u32 $0x1FFFFFF0, s17  }
0xa6: {  	[tilespmem:s18], [sflag:$0x1] =	stream.linear.gather [hbm4b:s2+s1], $0x40, $0x38;
	[tilespmem:$0x18800] =	vst v63  }
0xa7: {  	s20 =	simm.s32 $0x8880;
	s19 =	spop (v2sf);
	s0 =	sadd.s32 s3, s0  }
0xa8: {  	(v2sf) =	vpush v4, $0xC;
	[tilespmem:s20], [sflag:$0x1] =	stream.strided.gather [hbm4b:s0+s11], $0x0, s12, s11, $0x38;
	[tilespmem:$0x18800] =	vst v63  }
0xa9: {  	s21 =	spop (v2sf);
	s2 =	sand.u32 $0x1FFFFFF0, s19  }
0xaa: {  	(v2sf) =	vpush v2, $0xC;
	[tilespmem:s20], [sflag:$0x1] =	stream.linear.gather [hbm4b:s0+s1], $0x40, $0x38;
	[tilespmem:$0x18800] =	vst v63  }
0xab: {  	s22 =	simm.s32 $0x10880;
	s2 =	sadd.s32 s4, s2  }
0xac: {  	[tilespmem:s22], [sflag:$0x1] =	stream.strided.gather [hbm4b:s2+s11], $0x0, s12, s11, $0x38;
	[tilespmem:$0x18800] =	vst v63  }
0xad: {  	s23 =	spop (v2sf);
	s0 =	sand.u32 $0x1FFFFFF0, s21  }
0xae: {  	(v2sf) =	vpush v3, $0xC;
	[tilespmem:s22], [sflag:$0x1] =	stream.linear.gather [hbm4b:s2+s1], $0x40, $0x38;
	[tilespmem:$0x18800] =	vst v63  }
0xaf: {  	s24 =	simm.s32 $0x8C0;
	s0 =	sadd.s32 s3, s0  }
0xb0: {  	[tilespmem:s24], [sflag:$0x1] =	stream.strided.gather [hbm4b:s0+s11], $0x0, s12, s11, $0x38;
	[tilespmem:$0x18800] =	vst v63  }
0xb1: {  	s2 =	sand.u32 $0x1FFFFFF0, s23  }
0xb2: {  	[tilespmem:s24], [sflag:$0x1] =	stream.linear.gather [hbm4b:s0+s1], $0x40, $0x38;
	[tilespmem:$0x18800] =	vst v63  }
0xb3: {  	s26 =	simm.s32 $0x88C0;
	s25 =	spop (v2sf);
	s2 =	sadd.s32 s3, s2  }
0xb4: {  	(v2sf) =	vpush v4, $0xD;
	[tilespmem:s26], [sflag:$0x1] =	stream.strided.gather [hbm4b:s2+s11], $0x0, s12, s11, $0x38;
	[tilespmem:$0x18800] =	vst v63  }
0xb5: {  	s0 =	sand.u32 $0x1FFFFFF0, s25  }
0xb6: {  	[tilespmem:s26], [sflag:$0x1] =	stream.linear.gather [hbm4b:s2+s1], $0x40, $0x38;
	[tilespmem:$0x18800] =	vst v63  }
0xb7: {  	s29 =	simm.s32 $0x108C0;
	s28 =	spop (v2sf);
	s0 =	sadd.s32 s4, s0  }
0xb8: {  	(v2sf) =	vpush v2, $0xD;
	[tilespmem:s29], [sflag:$0x1] =	stream.strided.gather [hbm4b:s0+s11], $0x0, s12, s11, $0x38;
	[tilespmem:$0x18800] =	vst v63  }
0xb9: {  	s30 =	spop (v2sf);
	s2 =	sand.u32 $0x1FFFFFF0, s28  }
0xba: {  	(v2sf) =	vpush v3, $0xD;
	[tilespmem:s29], [sflag:$0x1] =	stream.linear.gather [hbm4b:s0+s1], $0x40, $0x38;
	[tilespmem:$0x18800] =	vst v63  }
0xbb: {  	s31 =	simm.s32 $0x900;
	s2 =	sadd.s32 s3, s2  }
0xbc: {  	[tilespmem:s31], [sflag:$0x1] =	stream.strided.gather [hbm4b:s2+s11], $0x0, s12, s11, $0x38;
	[tilespmem:$0x18800] =	vst v63  }
0xbd: {  	s6 =	spop (v2sf);
	s0 =	sand.u32 $0x1FFFFFF0, s30  }
0xbe: {  	(v2sf) =	vpush v4, $0xE;
	[tilespmem:s31], [sflag:$0x1] =	stream.linear.gather [hbm4b:s2+s1], $0x40, $0x38;
	[tilespmem:$0x18800] =	vst v63  }
0xbf: {  	s7 =	simm.s32 $0x8900;
	s0 =	sadd.s32 s3, s0  }
0xc0: {  	[tilespmem:s7], [sflag:$0x1] =	stream.strided.gather [hbm4b:s0+s11], $0x0, s12, s11, $0x38;
	[tilespmem:$0x18800] =	vst v63  }
0xc1: {  	s2 =	sand.u32 $0x1FFFFFF0, s6  }
0xc2: {  	[tilespmem:s7], [sflag:$0x1] =	stream.linear.gather [hbm4b:s0+s1], $0x40, $0x38;
	[tilespmem:$0x18800] =	vst v63  }
0xc3: {  	s9 =	simm.s32 $0x10900;
	s8 =	spop (v2sf);
	s2 =	sadd.s32 s4, s2  }
0xc4: {  	(v2sf) =	vpush v2, $0xE;
	[tilespmem:s9], [sflag:$0x1] =	stream.strided.gather [hbm4b:s2+s11], $0x0, s12, s11, $0x38;
	[tilespmem:$0x18800] =	vst v63  }
0xc5: {  	s0 =	sand.u32 $0x1FFFFFF0, s8  }
0xc6: {  	[tilespmem:s9], [sflag:$0x1] =	stream.linear.gather [hbm4b:s2+s1], $0x40, $0x38;
	[tilespmem:$0x18800] =	vst v63  }
0xc7: {  	s13 =	simm.s32 $0x940;
	s10 =	spop (v2sf);
	s0 =	sadd.s32 s3, s0  }
0xc8: {  	(v2sf) =	vpush v3, $0xE;
	[tilespmem:s13], [sflag:$0x1] =	stream.strided.gather [hbm4b:s0+s11], $0x0, s12, s11, $0x38;
	[tilespmem:$0x18800] =	vst v63  }
0xc9: {  	s17 =	spop (v2sf);
	s2 =	sand.u32 $0x1FFFFFF0, s10  }
0xca: {  	(v2sf) =	vpush v4, $0xF;
	[tilespmem:s13], [sflag:$0x1] =	stream.linear.gather [hbm4b:s0+s1], $0x40, $0x38;
	[tilespmem:$0x18800] =	vst v63  }
0xcb: {  	s18 =	simm.s32 $0x8940;
	s2 =	sadd.s32 s3, s2  }
0xcc: {  	(v2sf) =	vpush v2, $0xF;
	[tilespmem:s18], [sflag:$0x1] =	stream.strided.gather [hbm4b:s2+s11], $0x0, s12, s11, $0x38;
	[tilespmem:$0x18800] =	vst v63  }
0xcd: {  	s19 =	spop (v2sf);
	s0 =	sand.u32 $0x1FFFFFF0, s17  }
0xce: {  	(v2sf) =	vpush v3, $0xF;
	[tilespmem:s18], [sflag:$0x1] =	stream.linear.gather [hbm4b:s2+s1], $0x40, $0x38;
	[tilespmem:$0x18800] =	vst v63  }
0xcf: {  	s20 =	simm.s32 $0x10940;
	s0 =	sadd.s32 s4, s0  }
0xd0: {  	[tilespmem:s20], [sflag:$0x1] =	stream.strided.gather [hbm4b:s0+s11], $0x0, s12, s11, $0x38;
	[tilespmem:$0x18800] =	vst v63  }
0xd1: {  	s2 =	sand.u32 $0x1FFFFFF0, s19  }
0xd2: {  	[tilespmem:s20], [sflag:$0x1] =	stream.linear.gather [hbm4b:s0+s1], $0x40, $0x38;
	[tilespmem:$0x18800] =	vst v63  }
0xd3: {  	s22 =	simm.s32 $0x980;
	s21 =	spop (v2sf);
	s2 =	sadd.s32 s3, s2  }
0xd4: {  	[tilespmem:s22], [sflag:$0x1] =	stream.strided.gather [hbm4b:s2+s11], $0x0, s12, s11, $0x38;
	[tilespmem:$0x18800] =	vst v63  }
0xd5: {  	s5 =	simm.s32 $0x10;
	s0 =	sand.u32 $0x1FFFFFF0, s21  }
0xd6: {  	[tilespmem:s22], [sflag:$0x1] =	stream.linear.gather [hbm4b:s2+s1], $0x40, $0x38;
	[tilespmem:$0x18800] =	vst v63  }
0xd7: {  	s24 =	simm.s32 $0x8980;
	s23 =	spop (v2sf);
	s0 =	sadd.s32 s3, s0  }
0xd8: {  	[tilespmem:s24], [sflag:$0x1] =	stream.strided.gather [hbm4b:s0+s11], $0x0, s12, s11, $0x38;
	[tilespmem:$0x18800] =	vst v63  }
0xd9: {  	s26 =	simm.s32 $0x10980;
	s25 =	spop (v2sf);
	s2 =	sand.u32 $0x1FFFFFF0, s23  }
0xda: {  	[tilespmem:s24], [sflag:$0x1] =	stream.linear.gather [hbm4b:s0+s1], $0x40, $0x38;
	[tilespmem:$0x18800] =	vst v63  }
0xdb: {  	s29 =	simm.s32 $0x9C0;
	s28 =	spop (v2sf);
	s2 =	sadd.s32 s4, s2  }
0xdc: {  	[tilespmem:s26], [sflag:$0x1] =	stream.strided.gather [hbm4b:s2+s11], $0x0, s12, s11, $0x38;
	[tilespmem:$0x18800] =	vst v63  }
0xdd: {  	s6 =	simm.s32 $0x109C0;
	s30 =	spop (v2sf);
	s0 =	sand.u32 $0x1FFFFFF0, s25  }
0xde: {  	[tilespmem:s26], [sflag:$0x1] =	stream.linear.gather [hbm4b:s2+s1], $0x40, $0x38;
	[tilespmem:$0x18800] =	vst v63  }
0xdf: {  	s31 =	sand.u32 $0x1FFFFFF0, s30;
	s19 =	simm.s32 $0x1000;
	s0 =	sadd.s32 s3, s0  }
0xe0: {  	[tilespmem:s29], [sflag:$0x1] =	stream.strided.gather [hbm4b:s0+s11], $0x0, s12, s11, $0x38;
	[tilespmem:$0x18800] =	vst v63  }
0xe1: {  	s21 =	simm.s32 $0x210;
	s22 =	simm.s32 $0x410;
	s2 =	sand.u32 $0x1FFFFFF0, s28  }
0xe2: {  	[tilespmem:s29], [sflag:$0x1] =	stream.linear.gather [hbm4b:s0+s1], $0x40, $0x38;
	[tilespmem:$0x18800] =	vst v63  }
0xe3: {  	s25 =	sadd.s32 s4, s31;
	s2 =	sadd.s32 s3, s2;
	s0 =	simm.s32 $0x89C0  }
0xe4: {  	[tilespmem:s0], [sflag:$0x1] =	stream.strided.gather [hbm4b:s2+s11], $0x0, s12, s11, $0x38;
	[tilespmem:$0x18800] =	vst v63  }
.LBB2_2:
0xe5: {  	[tilespmem:s0], [sflag:$0x1] =	stream.linear.gather [hbm4b:s2+s1], $0x40, $0x38;
	[tilespmem:$0x18800] =	vst v63  }
0xe6: {  	_ = 	snop  }
0xe7: {  	[tilespmem:s6], [sflag:$0x1] =	stream.strided.gather [hbm4b:s25+s11], $0x0, s12, s11, $0x38;
	[tilespmem:$0x18800] =	vst v63  }
0xe8: {  	_ = 	snop  }
0xe9: {  	[tilespmem:s6], [sflag:$0x1] =	stream.linear.gather [hbm4b:s25+s1], $0x40, $0x38;
	[tilespmem:$0x18800] =	vst v63  }
0xea: {  	v2 =	vld [tilespmem:s5+$0x0];
	_ =	sdelay $0x1  }
0xeb: {  	v3 =	vld [tilespmem:s21+$0x0];
	_ =	sdelay $0x2  }
0xec: {  	v4 =	vshll.u32 v2, $0x4  }
0xed: {  	v5 =	vld [tilespmem:s22+$0x0];
	(v2sf) =	vpush v4, $0x0  }
0xee: {  	v3 =	vshll.u32 v3, $0x4  }
0xef: {  	(v2sf) =	vpush v3, $0x0;
	_ =	sdelay $0x1  }
0xf0: {  	(v2sf) =	vpush v4, $0x1  }
0xf1: {  	v2 =	vshll.u32 v5, $0x4  }
0xf2: {  	(v2sf) =	vpush v2, $0x0;
	_ =	sdelay $0x3  }
0xf3: {  	(v2sf) =	vpush v4, $0x2;
	_ =	sdelay $0x1  }
0xf4: {  	(v2sf) =	vpush v3, $0x1;
	_ =	sdelay $0x1  }
0xf5: {  	(v2sf) =	vpush v2, $0x1  }
0xf6: {  	s8 =	smov.u32 s19;
	s9 =	spop (v2sf)  }
0xf7: {  	s24 =	sshra.s32 s8, $0x2;
	(v2sf) =	vpush v3, $0x2;
	s0 =	sand.u32 $0x1FFFFFF0, s9  }
0xf8: {  	s13 =	sadd.s32 $0x600, s24;
	s10 =	spop (v2sf);
	s0 =	sadd.s32 s3, s0  }
0xf9: {  	(v2sf) =	vpush v2, $0x2;
	[tilespmem:s13], [sflag:$0x1] =	stream.strided.gather [hbm4b:s0+s11], $0x0, s12, s11, $0x38;
	[tilespmem:$0x18800] =	vst v63  }
0xfa: {  	[dreg:$0x6] =	wrdreg s5;
	s5 =	sand.u32 $0x1FFFFFF0, s10;
	s17 =	spop (v2sf)  }
0xfb: {  	(v2sf) =	vpush v4, $0x3;
	[tilespmem:s13], [sflag:$0x1] =	stream.linear.gather [hbm4b:s0+s1], $0x40, $0x38;
	[tilespmem:$0x18800] =	vst v63  }
0xfc: {  	s18 =	sadd.s32 $0x8600, s24;
	s5 =	sadd.s32 s3, s5;
	s20 =	spop (v2sf)  }
0xfd: {  	(v2sf) =	vpush v3, $0x3;
	[tilespmem:s18], [sflag:$0x1] =	stream.strided.gather [hbm4b:s5+s11], $0x0, s12, s11, $0x38;
	[tilespmem:$0x18800] =	vst v63  }
0xfe: {  	s7 =	sadd.s32 $0x109C0, s24;
	s6 =	sand.u32 $0x1FFFFFF0, s20  }
0xff: {  	(v2sf) =	vpush v2, $0x3;
	[tilespmem:s18], [sflag:$0x1] =	stream.linear.gather [hbm4b:s5+s1], $0x40, $0x38;
	[tilespmem:$0x18800] =	vst v63  }
0x100: {  	s9 =	sadd.s32 $0x10600, s24;
	s8 =	spop (v2sf);
	s6 =	sadd.s32 s4, s6  }
0x101: {  	(v2sf) =	vpush v4, $0x4;
	[tilespmem:s9], [sflag:$0x1] =	stream.strided.gather [hbm4b:s6+s11], $0x0, s12, s11, $0x38;
	[tilespmem:$0x18800] =	vst v63  }
0x102: {  	[dreg:$0x7] =	wrdreg s7;
	s7 =	sand.u32 $0x1FFFFFF0, s17;
	s13 =	spop (v2sf)  }
0x103: {  	(v2sf) =	vpush v3, $0x4;
	[tilespmem:s9], [sflag:$0x1] =	stream.linear.gather [hbm4b:s6+s1], $0x40, $0x38;
	[tilespmem:$0x18800] =	vst v63  }
0x104: {  	s2 =	sadd.s32 $0x640, s24;
	s28 =	sadd.s32 s3, s7;
	s25 =	spop (v2sf)  }
0x105: {  	(v2sf) =	vpush v2, $0x4;
	[tilespmem:s2], [sflag:$0x1] =	stream.strided.gather [hbm4b:s28+s11], $0x0, s12, s11, $0x38;
	[tilespmem:$0x18800] =	vst v63  }
0x106: {  	s23 =	sand.u32 $0x1FFFFFF0, s13;
	s26 =	spop (v2sf)  }
0x107: {  	[tilespmem:s2], [sflag:$0x1] =	stream.linear.gather [hbm4b:s28+s1], $0x40, $0x38;
	[tilespmem:$0x18800] =	vst v63  }
0x108: {  	s30 =	sadd.s32 $0x8640, s24;
	s0 =	sadd.s32 s3, s23;
	s29 =	spop (v2sf)  }
0x109: {  	(v2sf) =	vpush v4, $0x5;
	[tilespmem:s30], [sflag:$0x1] =	stream.strided.gather [hbm4b:s0+s11], $0x0, s12, s11, $0x38;
	[tilespmem:$0x18800] =	vst v63  }
0x10a: {  	s5 =	sand.u32 $0x1FFFFFF0, s8;
	s8 =	sand.u32 $0x1FFFFFF0, s25;
	s31 =	spop (v2sf)  }
0x10b: {  	(v2sf) =	vpush v3, $0x5;
	[tilespmem:s30], [sflag:$0x1] =	stream.linear.gather [hbm4b:s0+s1], $0x40, $0x38;
	[tilespmem:$0x18800] =	vst v63  }
0x10c: {  	s10 =	sadd.s32 $0x10640, s24;
	s18 =	sadd.s32 s4, s8;
	s7 =	spop (v2sf)  }
0x10d: {  	(v2sf) =	vpush v2, $0x5;
	[tilespmem:s10], [sflag:$0x1] =	stream.strided.gather [hbm4b:s18+s11], $0x0, s12, s11, $0x38;
	[tilespmem:$0x18800] =	vst v63  }
0x10e: {  	s23 =	sadd.s32 $0x680, s24;
	s25 =	sand.u32 $0x1FFFFFF0, s26;
	s17 =	spop (v2sf)  }
0x10f: {  	(v2sf) =	vpush v4, $0x6;
	[tilespmem:s10], [sflag:$0x1] =	stream.linear.gather [hbm4b:s18+s1], $0x40, $0x38;
	[tilespmem:$0x18800] =	vst v63  }
0x110: {  	s25 =	sadd.s32 s3, s25;
	s20 =	spop (v2sf);
	s30 =	sadd.s32 s3, s5  }
0x111: {  	(v2sf) =	vpush v3, $0x6;
	[tilespmem:s23], [sflag:$0x1] =	stream.strided.gather [hbm4b:s30+s11], $0x0, s12, s11, $0x38;
	[tilespmem:$0x18800] =	vst v63  }
0x112: {  	s26 =	sand.u32 $0x1FFFFFF0, s29;
	s2 =	sand.u32 $0x1FFFFFF0, s31;
	s29 =	spop (v2sf)  }
0x113: {  	[tilespmem:s23], [sflag:$0x1] =	stream.linear.gather [hbm4b:s30+s1], $0x40, $0x38;
	[tilespmem:$0x18800] =	vst v63  }
0x114: {  	s28 =	sadd.s32 $0x8680, s24;
	s7 =	sand.u32 $0x1FFFFFF0, s7;
	s31 =	spop (v2sf)  }
0x115: {  	(v2sf) =	vpush v2, $0x6;
	[tilespmem:s28], [sflag:$0x1] =	stream.strided.gather [hbm4b:s25+s11], $0x0, s12, s11, $0x38;
	[tilespmem:$0x18800] =	vst v63  }
0x116: {  	s17 =	sand.u32 $0x1FFFFFF0, s17;
	s6 =	sand.u32 $0x1FFFFFF0, s20;
	s9 =	sand.u32 $0x1FFFFFF0, s29  }
0x117: {  	[tilespmem:s28], [sflag:$0x1] =	stream.linear.gather [hbm4b:s25+s1], $0x40, $0x38;
	[tilespmem:$0x18800] =	vst v63  }
0x118: {  	s29 =	sadd.s32 $0x10680, s24;
	s10 =	spop (v2sf);
	s23 =	sadd.s32 s4, s26  }
0x119: {  	[tilespmem:s29], [sflag:$0x1] =	stream.strided.gather [hbm4b:s23+s11], $0x0, s12, s11, $0x38;
	[tilespmem:$0x18800] =	vst v63  }
0x11a: {  	s13 =	sand.u32 $0x1FFFFFF0, s31;
	s8 =	sand.u32 $0x1FFFFFF0, s10;
	s18 =	spop (v2sf)  }
0x11b: {  	(v2sf) =	vpush v4, $0x7;
	[tilespmem:s29], [sflag:$0x1] =	stream.linear.gather [hbm4b:s23+s1], $0x40, $0x38;
	[tilespmem:$0x18800] =	vst v63  }
0x11c: {  	s10 =	sadd.s32 $0x6C0, s24;
	s30 =	sadd.s32 s3, s2;
	s20 =	spop (v2sf)  }
0x11d: {  	[tilespmem:s10], [sflag:$0x1] =	stream.strided.gather [hbm4b:s30+s11], $0x0, s12, s11, $0x38;
	[tilespmem:$0x18800] =	vst v63  }
0x11e: {  	s0 =	sand.u32 $0x1FFFFFF0, s18;
	s5 =	sand.u32 $0x1FFFFFF0, s20;
	s31 =	spop (v2sf)  }
0x11f: {  	(v2sf) =	vpush v3, $0x7;
	[tilespmem:s10], [sflag:$0x1] =	stream.linear.gather [hbm4b:s30+s1], $0x40, $0x38;
	[tilespmem:$0x18800] =	vst v63  }
0x120: {  	s20 =	sadd.s32 $0x86C0, s24;
	s18 =	spop (v2sf);
	s23 =	sadd.s32 s3, s7  }
0x121: {  	(v2sf) =	vpush v2, $0x7;
	[tilespmem:s20], [sflag:$0x1] =	stream.strided.gather [hbm4b:s23+s11], $0x0, s12, s11, $0x38;
	[tilespmem:$0x18800] =	vst v63  }
0x122: {  	s17 =	sadd.s32 s4, s17  }
0x123: {  	[tilespmem:s20], [sflag:$0x1] =	stream.linear.gather [hbm4b:s23+s1], $0x40, $0x38;
	[tilespmem:$0x18800] =	vst v63  }
0x124: {  	s2 =	sand.u32 $0x1FFFFFF0, s31;
	s31 =	spop (v2sf);
	s10 =	sadd.s32 $0x106C0, s24  }
0x125: {  	(v2sf) =	vpush v4, $0x8;
	[tilespmem:s10], [sflag:$0x1] =	stream.strided.gather [hbm4b:s17+s11], $0x0, s12, s11, $0x38;
	[tilespmem:$0x18800] =	vst v63  }
0x126: {  	_ = 	snop  }
0x127: {  	[tilespmem:s10], [sflag:$0x1] =	stream.linear.gather [hbm4b:s17+s1], $0x40, $0x38;
	[tilespmem:$0x18800] =	vst v63  }
0x128: {  	s20 =	sadd.s32 $0x700, s24;
	s23 =	sadd.s32 s3, s6  }
0x129: {  	[tilespmem:s20], [sflag:$0x1] =	stream.strided.gather [hbm4b:s23+s11], $0x0, s12, s11, $0x38;
	[tilespmem:$0x18800] =	vst v63  }
0x12a: {  	s7 =	sand.u32 $0x1FFFFFF0, s18;
	s18 =	spop (v2sf)  }
0x12b: {  	(v2sf) =	vpush v3, $0x8;
	[tilespmem:s20], [sflag:$0x1] =	stream.linear.gather [hbm4b:s23+s1], $0x40, $0x38;
	[tilespmem:$0x18800] =	vst v63  }
0x12c: {  	s25 =	sand.u32 $0x1FFFFFF0, s31;
	s31 =	sadd.s32 $0x8700, s24;
	s10 =	sadd.s32 s3, s9  }
0x12d: {  	(v2sf) =	vpush v2, $0x8;
	[tilespmem:s31], [sflag:$0x1] =	stream.strided.gather [hbm4b:s10+s11], $0x0, s12, s11, $0x38;
	[tilespmem:$0x18800] =	vst v63  }
0x12e: {  	s13 =	sadd.s32 s4, s13;
	s26 =	spop (v2sf)  }
0x12f: {  	(v2sf) =	vpush v4, $0x9;
	[tilespmem:s31], [sflag:$0x1] =	stream.linear.gather [hbm4b:s10+s1], $0x40, $0x38;
	[tilespmem:$0x18800] =	vst v63  }
0x130: {  	s6 =	sand.u32 $0x1FFFFFF0, s18;
	s18 =	spop (v2sf);
	s20 =	sadd.s32 $0x10700, s24  }
0x131: {  	(v2sf) =	vpush v3, $0x9;
	[tilespmem:s20], [sflag:$0x1] =	stream.strided.gather [hbm4b:s13+s11], $0x0, s12, s11, $0x38;
	[tilespmem:$0x18800] =	vst v63  }
0x132: {  	_ = 	snop  }
0x133: {  	(v2sf) =	vpush v2, $0x9;
	[tilespmem:s20], [sflag:$0x1] =	stream.linear.gather [hbm4b:s13+s1], $0x40, $0x38;
	[tilespmem:$0x18800] =	vst v63  }
0x134: {  	s8 =	sadd.s32 s3, s8;
	s30 =	sadd.s32 $0x740, s24;
	s23 =	spop (v2sf)  }
0x135: {  	(v2sf) =	vpush v4, $0xA;
	[tilespmem:s30], [sflag:$0x1] =	stream.strided.gather [hbm4b:s8+s11], $0x0, s12, s11, $0x38;
	[tilespmem:$0x18800] =	vst v63  }
0x136: {  	s9 =	sand.u32 $0x1FFFFFF0, s26  }
0x137: {  	[tilespmem:s30], [sflag:$0x1] =	stream.linear.gather [hbm4b:s8+s1], $0x40, $0x38;
	[tilespmem:$0x18800] =	vst v63  }
0x138: {  	s26 =	sadd.s32 $0x8740, s24;
	s17 =	sand.u32 $0x1FFFFFF0, s18;
	s18 =	sadd.s32 s3, s0  }
0x139: {  	[tilespmem:s26], [sflag:$0x1] =	stream.strided.gather [hbm4b:s18+s11], $0x0, s12, s11, $0x38;
	[tilespmem:$0x18800] =	vst v63  }
0x13a: {  	s28 =	sadd.s32 $0x10740, s24;
	s10 =	spop (v2sf)  }
0x13b: {  	(v2sf) =	vpush v3, $0xA;
	[tilespmem:s26], [sflag:$0x1] =	stream.linear.gather [hbm4b:s18+s1], $0x40, $0x38;
	[tilespmem:$0x18800] =	vst v63  }
0x13c: {  	s20 =	spop (v2sf);
	s13 =	sand.u32 $0x1FFFFFF0, s10;
	s10 =	sadd.s32 s4, s5  }
0x13d: {  	(v2sf) =	vpush v2, $0xA;
	[tilespmem:s28], [sflag:$0x1] =	stream.strided.gather [hbm4b:s10+s11], $0x0, s12, s11, $0x38;
	[tilespmem:$0x18800] =	vst v63  }
0x13e: {  	s31 =	sand.u32 $0x1FFFFFF0, s23;
	s0 =	sand.u32 $0x1FFFFFF0, s20;
	s23 =	spop (v2sf)  }
0x13f: {  	(v2sf) =	vpush v4, $0xB;
	[tilespmem:s28], [sflag:$0x1] =	stream.linear.gather [hbm4b:s10+s1], $0x40, $0x38;
	[tilespmem:$0x18800] =	vst v63  }
0x140: {  	s20 =	sadd.s32 s3, s2;
	s5 =	spop (v2sf);
	s18 =	sadd.s32 $0x780, s24  }
0x141: {  	[tilespmem:s18], [sflag:$0x1] =	stream.strided.gather [hbm4b:s20+s11], $0x0, s12, s11, $0x38;
	[tilespmem:$0x18800] =	vst v63  }
0x142: {  	s8 =	sand.u32 $0x1FFFFFF0, s23;
	s23 =	spop (v2sf)  }
0x143: {  	(v2sf) =	vpush v3, $0xB;
	[tilespmem:s18], [sflag:$0x1] =	stream.linear.gather [hbm4b:s20+s1], $0x40, $0x38;
	[tilespmem:$0x18800] =	vst v63  }
0x144: {  	s7 =	sadd.s32 s3, s7;
	s30 =	spop (v2sf);
	s10 =	sadd.s32 $0x8780, s24  }
0x145: {  	(v2sf) =	vpush v2, $0xB;
	[tilespmem:s10], [sflag:$0x1] =	stream.strided.gather [hbm4b:s7+s11], $0x0, s12, s11, $0x38;
	[tilespmem:$0x18800] =	vst v63  }
0x146: {  	_ = 	snop  }
0x147: {  	[tilespmem:s10], [sflag:$0x1] =	stream.linear.gather [hbm4b:s7+s1], $0x40, $0x38;
	[tilespmem:$0x18800] =	vst v63  }
0x148: {  	s28 =	sadd.s32 $0x10780, s24;
	s20 =	sadd.s32 s4, s25  }
0x149: {  	[tilespmem:s28], [sflag:$0x1] =	stream.strided.gather [hbm4b:s20+s11], $0x0, s12, s11, $0x38;
	[tilespmem:$0x18800] =	vst v63  }
0x14a: {  	s6 =	sadd.s32 s3, s6;
	s2 =	sand.u32 $0x1FFFFFF0, s23;
	s18 =	spop (v2sf)  }
0x14b: {  	(v2sf) =	vpush v4, $0xC;
	[tilespmem:s28], [sflag:$0x1] =	stream.linear.gather [hbm4b:s20+s1], $0x40, $0x38;
	[tilespmem:$0x18800] =	vst v63  }
0x14c: {  	s23 =	spop (v2sf);
	s7 =	sand.u32 $0x1FFFFFF0, s18;
	s18 =	sadd.s32 $0x7C0, s24  }
0x14d: {  	[tilespmem:s18], [sflag:$0x1] =	stream.strided.gather [hbm4b:s6+s11], $0x0, s12, s11, $0x38;
	[tilespmem:$0x18800] =	vst v63  }
0x14e: {  	s25 =	spop (v2sf)  }
0x14f: {  	(v2sf) =	vpush v3, $0xC;
	[tilespmem:s18], [sflag:$0x1] =	stream.linear.gather [hbm4b:s6+s1], $0x40, $0x38;
	[tilespmem:$0x18800] =	vst v63  }
0x150: {  	s9 =	sadd.s32 s3, s9;
	s26 =	sand.u32 $0x1FFFFFF0, s23;
	s23 =	sadd.s32 $0x87C0, s24  }
0x151: {  	(v2sf) =	vpush v2, $0xC;
	[tilespmem:s23], [sflag:$0x1] =	stream.strided.gather [hbm4b:s9+s11], $0x0, s12, s11, $0x38;
	[tilespmem:$0x18800] =	vst v63  }
0x152: {  	s28 =	spop (v2sf)  }
0x153: {  	(v2sf) =	vpush v4, $0xD;
	[tilespmem:s23], [sflag:$0x1] =	stream.linear.gather [hbm4b:s9+s1], $0x40, $0x38;
	[tilespmem:$0x18800] =	vst v63  }
0x154: {  	s10 =	sadd.s32 $0x107C0, s24;
	s29 =	spop (v2sf);
	s18 =	sadd.s32 s4, s17  }
0x155: {  	(v2sf) =	vpush v3, $0xD;
	[tilespmem:s10], [sflag:$0x1] =	stream.strided.gather [hbm4b:s18+s11], $0x0, s12, s11, $0x38;
	[tilespmem:$0x18800] =	vst v63  }
0x156: {  	_ = 	snop  }
0x157: {  	(v2sf) =	vpush v2, $0xD;
	[tilespmem:s10], [sflag:$0x1] =	stream.linear.gather [hbm4b:s18+s1], $0x40, $0x38;
	[tilespmem:$0x18800] =	vst v63  }
0x158: {  	s20 =	sadd.s32 s3, s31;
	s23 =	sadd.s32 $0x800, s24  }
0x159: {  	[tilespmem:s23], [sflag:$0x1] =	stream.strided.gather [hbm4b:s20+s11], $0x0, s12, s11, $0x38;
	[tilespmem:$0x18800] =	vst v63  }
0x15a: {  	s17 =	spop (v2sf)  }
0x15b: {  	(v2sf) =	vpush v4, $0xE;
	[tilespmem:s23], [sflag:$0x1] =	stream.linear.gather [hbm4b:s20+s1], $0x40, $0x38;
	[tilespmem:$0x18800] =	vst v63  }
0x15c: {  	s13 =	sadd.s32 s3, s13;
	s10 =	sadd.s32 $0x8800, s24  }
0x15d: {  	[tilespmem:s10], [sflag:$0x1] =	stream.strided.gather [hbm4b:s13+s11], $0x0, s12, s11, $0x38;
	[tilespmem:$0x18800] =	vst v63  }
0x15e: {  	s6 =	spop (v2sf)  }
0x15f: {  	[tilespmem:s10], [sflag:$0x1] =	stream.linear.gather [hbm4b:s13+s1], $0x40, $0x38;
	[tilespmem:$0x18800] =	vst v63  }
0x160: {  	s31 =	spop (v2sf);
	s18 =	sadd.s32 $0x10800, s24;
	s23 =	sadd.s32 s4, s0  }
0x161: {  	[tilespmem:s18], [sflag:$0x1] =	stream.strided.gather [hbm4b:s23+s11], $0x0, s12, s11, $0x38;
	[tilespmem:$0x18800] =	vst v63  }
0x162: {  	s20 =	spop (v2sf)  }
0x163: {  	[tilespmem:s18], [sflag:$0x1] =	stream.linear.gather [hbm4b:s23+s1], $0x40, $0x38;
	[tilespmem:$0x18800] =	vst v63  }
0x164: {  	s8 =	sadd.s32 s3, s8;
	s13 =	spop (v2sf);
	s10 =	sadd.s32 $0x840, s24  }
0x165: {  	[tilespmem:s10], [sflag:$0x1] =	stream.strided.gather [hbm4b:s8+s11], $0x0, s12, s11, $0x38;
	[tilespmem:$0x18800] =	vst v63  }
0x166: {  	s0 =	sand.u32 $0x1FFFFFF0, s20;
	s20 =	spop (v2sf);
	s23 =	sand.u32 $0x1FFFFFF0, s5  }
0x167: {  	[tilespmem:s10], [sflag:$0x1] =	stream.linear.gather [hbm4b:s8+s1], $0x40, $0x38;
	[tilespmem:$0x18800] =	vst v63  }
0x168: {  	s9 =	sand.u32 $0x1FFFFFF0, s13;
	s13 =	sadd.s32 $0x8840, s24;
	s18 =	sadd.s32 s3, s23  }
0x169: {  	[tilespmem:s13], [sflag:$0x1] =	stream.strided.gather [hbm4b:s18+s11], $0x0, s12, s11, $0x38;
	[tilespmem:$0x18800] =	vst v63  }
0x16a: {  	s5 =	sand.u32 $0x1FFFFFF0, s20;
	s20 =	spop (v2sf)  }
0x16b: {  	[tilespmem:s13], [sflag:$0x1] =	stream.linear.gather [hbm4b:s18+s1], $0x40, $0x38;
	[tilespmem:$0x18800] =	vst v63  }
0x16c: {  	s23 =	sadd.s32 $0x10840, s24;
	s8 =	sand.u32 $0x1FFFFFF0, s20;
	s20 =	sadd.s32 s4, s2  }
0x16d: {  	[tilespmem:s23], [sflag:$0x1] =	stream.strided.gather [hbm4b:s20+s11], $0x0, s12, s11, $0x38;
	[tilespmem:$0x18800] =	vst v63  }
0x16e: {  	s30 =	sand.u32 $0x1FFFFFF0, s30  }
0x16f: {  	[tilespmem:s23], [sflag:$0x1] =	stream.linear.gather [hbm4b:s20+s1], $0x40, $0x38;
	[tilespmem:$0x18800] =	vst v63  }
0x170: {  	s13 =	sadd.s32 $0x880, s24;
	s18 =	sadd.s32 s3, s30  }
0x171: {  	[tilespmem:s13], [sflag:$0x1] =	stream.strided.gather [hbm4b:s18+s11], $0x0, s12, s11, $0x38;
	[tilespmem:$0x18800] =	vst v63  }
0x172: {  	_ = 	snop  }
0x173: {  	[tilespmem:s13], [sflag:$0x1] =	stream.linear.gather [hbm4b:s18+s1], $0x40, $0x38;
	[tilespmem:$0x18800] =	vst v63  }
0x174: {  	s20 =	sadd.s32 $0x8880, s24;
	s23 =	sadd.s32 s3, s7  }
0x175: {  	[tilespmem:s20], [sflag:$0x1] =	stream.strided.gather [hbm4b:s23+s11], $0x0, s12, s11, $0x38;
	[tilespmem:$0x18800] =	vst v63  }
0x176: {  	_ = 	snop  }
0x177: {  	[tilespmem:s20], [sflag:$0x1] =	stream.linear.gather [hbm4b:s23+s1], $0x40, $0x38;
	[tilespmem:$0x18800] =	vst v63  }
0x178: {  	s13 =	sadd.s32 $0x10880, s24;
	s18 =	sadd.s32 s4, s26  }
0x179: {  	[tilespmem:s13], [sflag:$0x1] =	stream.strided.gather [hbm4b:s18+s11], $0x0, s12, s11, $0x38;
	[tilespmem:$0x18800] =	vst v63  }
0x17a: {  	s25 =	sand.u32 $0x1FFFFFF0, s25  }
0x17b: {  	[tilespmem:s13], [sflag:$0x1] =	stream.linear.gather [hbm4b:s18+s1], $0x40, $0x38;
	[tilespmem:$0x18800] =	vst v63  }
0x17c: {  	s20 =	sadd.s32 $0x8C0, s24;
	s23 =	sadd.s32 s3, s25  }
0x17d: {  	[tilespmem:s20], [sflag:$0x1] =	stream.strided.gather [hbm4b:s23+s11], $0x0, s12, s11, $0x38;
	[tilespmem:$0x18800] =	vst v63  }
0x17e: {  	s28 =	sand.u32 $0x1FFFFFF0, s28  }
0x17f: {  	[tilespmem:s20], [sflag:$0x1] =	stream.linear.gather [hbm4b:s23+s1], $0x40, $0x38;
	[tilespmem:$0x18800] =	vst v63  }
0x180: {  	s13 =	sadd.s32 $0x88C0, s24;
	s18 =	sadd.s32 s3, s28  }
0x181: {  	[tilespmem:s13], [sflag:$0x1] =	stream.strided.gather [hbm4b:s18+s11], $0x0, s12, s11, $0x38;
	[tilespmem:$0x18800] =	vst v63  }
0x182: {  	s29 =	sand.u32 $0x1FFFFFF0, s29  }
0x183: {  	[tilespmem:s13], [sflag:$0x1] =	stream.linear.gather [hbm4b:s18+s1], $0x40, $0x38;
	[tilespmem:$0x18800] =	vst v63  }
0x184: {  	s29 =	sadd.s32 s4, s29;
	s28 =	sadd.s32 $0x108C0, s24  }
0x185: {  	[tilespmem:s28], [sflag:$0x1] =	stream.strided.gather [hbm4b:s29+s11], $0x0, s12, s11, $0x38;
	[tilespmem:$0x18800] =	vst v63  }
0x186: {  	s17 =	sand.u32 $0x1FFFFFF0, s17  }
0x187: {  	[tilespmem:s28], [sflag:$0x1] =	stream.linear.gather [hbm4b:s29+s1], $0x40, $0x38;
	[tilespmem:$0x18800] =	vst v63  }
0x188: {  	s17 =	sadd.s32 s3, s17;
	s13 =	sadd.s32 $0x900, s24  }
0x189: {  	[tilespmem:s13], [sflag:$0x1] =	stream.strided.gather [hbm4b:s17+s11], $0x0, s12, s11, $0x38;
	[tilespmem:$0x18800] =	vst v63  }
0x18a: {  	s6 =	sand.u32 $0x1FFFFFF0, s6  }
0x18b: {  	[tilespmem:s13], [sflag:$0x1] =	stream.linear.gather [hbm4b:s17+s1], $0x40, $0x38;
	[tilespmem:$0x18800] =	vst v63  }
0x18c: {  	s6 =	sadd.s32 s3, s6;
	s23 =	sadd.s32 $0x8900, s24  }
0x18d: {  	(v2sf) =	vpush v3, $0xE;
	[tilespmem:s23], [sflag:$0x1] =	stream.strided.gather [hbm4b:s6+s11], $0x0, s12, s11, $0x38;
	[tilespmem:$0x18800] =	vst v63  }
0x18e: {  	s31 =	sand.u32 $0x1FFFFFF0, s31  }
0x18f: {  	[tilespmem:s23], [sflag:$0x1] =	stream.linear.gather [hbm4b:s6+s1], $0x40, $0x38;
	[tilespmem:$0x18800] =	vst v63  }
0x190: {  	s28 =	sadd.s32 $0x10900, s24;
	s29 =	sadd.s32 s4, s31  }
0x191: {  	[tilespmem:s28], [sflag:$0x1] =	stream.strided.gather [hbm4b:s29+s11], $0x0, s12, s11, $0x38;
	[tilespmem:$0x18800] =	vst v63  }
0x192: {  	_ = 	snop  }
0x193: {  	[tilespmem:s28], [sflag:$0x1] =	stream.linear.gather [hbm4b:s29+s1], $0x40, $0x38;
	[tilespmem:$0x18800] =	vst v63  }
0x194: {  	s0 =	sadd.s32 s3, s0;
	s31 =	sadd.s32 $0x940, s24  }
0x195: {  	(v2sf) =	vpush v2, $0xE;
	[tilespmem:s31], [sflag:$0x1] =	stream.strided.gather [hbm4b:s0+s11], $0x0, s12, s11, $0x38;
	[tilespmem:$0x18800] =	vst v63  }
0x196: {  	_ = 	snop  }
0x197: {  	(v2sf) =	vpush v4, $0xF;
	[tilespmem:s31], [sflag:$0x1] =	stream.linear.gather [hbm4b:s0+s1], $0x40, $0x38;
	[tilespmem:$0x18800] =	vst v63  }
0x198: {  	s9 =	sadd.s32 s3, s9;
	s17 =	sadd.s32 $0x8940, s24  }
0x199: {  	[tilespmem:s17], [sflag:$0x1] =	stream.strided.gather [hbm4b:s9+s11], $0x0, s12, s11, $0x38;
	[tilespmem:$0x18800] =	vst v63  }
0x19a: {  	_ = 	snop  }
0x19b: {  	(v2sf) =	vpush v3, $0xF;
	[tilespmem:s17], [sflag:$0x1] =	stream.linear.gather [hbm4b:s9+s1], $0x40, $0x38;
	[tilespmem:$0x18800] =	vst v63  }
0x19c: {  	s5 =	sadd.s32 s4, s5;
	s10 =	spop (v2sf);
	s18 =	sadd.s32 $0x10940, s24  }
0x19d: {  	(v2sf) =	vpush v2, $0xF;
	[tilespmem:s18], [sflag:$0x1] =	stream.strided.gather [hbm4b:s5+s11], $0x0, s12, s11, $0x38;
	[tilespmem:$0x18800] =	vst v63  }
0x19e: {  	_ = 	snop  }
0x19f: {  	[tilespmem:s18], [sflag:$0x1] =	stream.linear.gather [hbm4b:s5+s1], $0x40, $0x38;
	[tilespmem:$0x18800] =	vst v63  }
0x1a0: {  	s8 =	sadd.s32 s3, s8;
	s20 =	sadd.s32 $0x980, s24  }
0x1a1: {  	[tilespmem:s20], [sflag:$0x1] =	stream.strided.gather [hbm4b:s8+s11], $0x0, s12, s11, $0x38;
	[tilespmem:$0x18800] =	vst v63  }
0x1a2: {  	p0 =	sne.s32 s19, $0x1F000;
	s2 =	sand.u32 $0x1FFFFFF0, s10  }
0x1a3: {  	[tilespmem:s20], [sflag:$0x1] =	stream.linear.gather [hbm4b:s8+s1], $0x40, $0x38;
	[tilespmem:$0x18800] =	vst v63  }
0x1a4: {  	s2 =	sadd.s32 s3, s2;
	s10 =	spop (v2sf);
	s23 =	sadd.s32 $0x8980, s24  }
0x1a5: {  	[tilespmem:s23], [sflag:$0x1] =	stream.strided.gather [hbm4b:s2+s11], $0x0, s12, s11, $0x38;
	[tilespmem:$0x18800] =	vst v63  }
0x1a6: {  	s19 =	sadd.s32 $0x1000, s19;
	s30 =	sand.u32 $0x1FFFFFF0, s10;
	s10 =	spop (v2sf)  }
0x1a7: {  	[tilespmem:s23], [sflag:$0x1] =	stream.linear.gather [hbm4b:s2+s1], $0x40, $0x38;
	[tilespmem:$0x18800] =	vst v63  }
0x1a8: {  	s7 =	sand.u32 $0x1FFFFFF0, s10;
	s28 =	sadd.s32 $0x10980, s24;
	s29 =	sadd.s32 s4, s30  }
0x1a9: {  	[tilespmem:s28], [sflag:$0x1] =	stream.strided.gather [hbm4b:s29+s11], $0x0, s12, s11, $0x38;
	[tilespmem:$0x18800] =	vst v63  }
0x1aa: {  	s21 =	sadd.s32 $0x10, s21;
	s10 =	spop (v2sf);
	s7 =	sadd.s32 s3, s7  }
0x1ab: {  	[tilespmem:s28], [sflag:$0x1] =	stream.linear.gather [hbm4b:s29+s1], $0x40, $0x38;
	[tilespmem:$0x18800] =	vst v63  }
0x1ac: {  	s26 =	sand.u32 $0x1FFFFFF0, s10;
	s10 =	spop (v2sf);
	s30 =	sadd.s32 $0x9C0, s24  }
0x1ad: {  	[tilespmem:s30], [sflag:$0x1] =	stream.strided.gather [hbm4b:s7+s11], $0x0, s12, s11, $0x38;
	[tilespmem:$0x18800] =	vst v63  }
.Ltmp0:
0x1ae: {  	s10 =	sand.u32 $0x1FFFFFF0, s10;
	s6 =	rddreg [dreg:$0x7];
	(pc) =	sbr.rel @p0 .LBB2_2-.Ltmp0, $4  }
0x1af: {  	s22 =	sadd.s32 $0x10, s22;
	s25 =	sadd.s32 s4, s10;
	s31 =	rddreg [dreg:$0x6]  }
0x1b0: {  	[tilespmem:s30], [sflag:$0x1] =	stream.linear.gather [hbm4b:s7+s1], $0x40, $0x38;
	[tilespmem:$0x18800] =	vst v63  }
0x1b1: {  	s0 =	sadd.s32 $0x89C0, s24;
	s5 =	sadd.s32 $0x10, s31;
	s2 =	sadd.s32 s3, s26  }
0x1b2: {  	[tilespmem:s0], [sflag:$0x1] =	stream.strided.gather [hbm4b:s2+s11], $0x0, s12, s11, $0x38;
	[tilespmem:$0x18800] =	vst v63  }
0x1b3: {  	[tilespmem:s0], [sflag:$0x1] =	stream.linear.gather [hbm4b:s2+s1], $0x40, $0x38;
	[tilespmem:$0x18800] =	vst v63  }
0x1b4: {  	_ = 	snop  }
0x1b5: {  	[tilespmem:s6], [sflag:$0x1] =	stream.strided.gather [hbm4b:s25+s11], $0x0, s12, s11, $0x38;
	[tilespmem:$0x18800] =	vst v63  }
0x1b6: {  	s31 =	simm.s32 $0x1  }
0x1b7: {  	[tilespmem:s6], [sflag:$0x1] =	stream.linear.gather [hbm4b:s25+s1], $0x40, $0x38;
	[tilespmem:$0x18800] =	vst v63  }
0x1b8: {  	_ =	swait.ge [sflag:s31], $0x8000  }
0x1b9: {  	[sflag:s31] =	ssyncset.done $0x0  }
0x1ba: {  	[sflag:s31] =	ssyncadd.s32 $0xFFFF8000  }
0x1bb: {  	_ =	swait.ge [sflag:s31], $0x8000  }
0x1bc: {  	[sflag:s31] =	ssyncset.done $0x0  }
0x1bd: {  	[sflag:s31] =	ssyncadd.s32 $0xFFFF8000  }
0x1be: {  	_ =	swait.ge [sflag:s31], $0x8000  }
0x1bf: {  	[sflag:s31] =	ssyncset.done $0x0  }
0x1c0: {  	s19 =	simm.s32 $0x0;
	s20 =	simm.s32 $0x0;
	[sflag:s31] =	ssyncadd.s32 $0xFFFF8000  }
.LBB2_4:
0x1c1: {  	s0 =	sshll.u32 s20, $0x3  }
0x1c2: {  	v2 =	vmov s0  }
0x1c3: {  	v2 =	vshll.u32 v2, $0x7  }
0x1c4: {  	v2 =	vor.u32 v0, v2  }
0x1c5: {  	v2 =	vor.u32 v1, v2  }
0x1c6: {  	v3 =	vor.u32 s19, v2;
	_ =	sdelay $0x1  }
0x1c7: {  	s17 =	simm.s32 $0x6  }
0x1c8: {  	s18 =	simm.s32 $0x5;
	v5 =	vor.u32 s17, v2  }
0x1c9: {  	s2 =	simm.s32 $0x4;
	v6 =	vor.u32 s18, v2  }
0x1ca: {  	s21 =	simm.s32 $0x3;
	v8 =	vor.u32 s2, v2;
	v7 =	vld.idx.msk [tilespmem:v3+s16+$0x0], $0xffff  }
0x1cb: {  	s22 =	simm.s32 $0x2;
	v10 =	vor.u32 s21, v2;
	v9 =	vld.idx.msk [tilespmem:v3+s14+$0x0], $0xffff  }
0x1cc: {  	s23 =	simm.s32 $0x1;
	v11 =	vor.u32 s22, v2;
	v3 =	vld.idx.msk [tilespmem:v3+s15+$0x0], $0xffff  }
0x1cd: {  	v12 =	vor.u32 s23, v2;
	v4 =	vld.idx.msk [tilespmem:v5+s16+$0x0], $0xffff  }
0x1ce: {  	v16 =	vld.idx.msk [tilespmem:v6+s16+$0x0], $0xffff  }
0x1cf: {  	v13 =	vld.idx.msk [tilespmem:v8+s16+$0x0], $0xffff  }
0x1d0: {  	v14 =	vld.idx.msk [tilespmem:v10+s16+$0x0], $0xffff  }
0x1d1: {  	v15 =	vld.idx.msk [tilespmem:v11+s16+$0x0], $0xffff  }
0x1d2: {  	v17 =	vld.idx.msk [tilespmem:v12+s16+$0x0], $0xffff  }
0x1d3: {  	v18 =	vld.idx.msk [tilespmem:v12+s14+$0x0], $0xffff  }
0x1d4: {  	v12 =	vld.idx.msk [tilespmem:v12+s15+$0x0], $0xffff  }
0x1d5: {  	v19 =	vld.idx.msk [tilespmem:v11+s14+$0x0], $0xffff  }
0x1d6: {  	v11 =	vld.idx.msk [tilespmem:v11+s15+$0x0], $0xffff  }
0x1d7: {  	v20 =	vld.idx.msk [tilespmem:v10+s14+$0x0], $0xffff;
	v3 =	vmul.f32 v3, v9  }
0x1d8: {  	v9 =	vld.idx.msk [tilespmem:v10+s15+$0x0], $0xffff  }
0x1d9: {  	s24 =	simm.s32 $0x7;
	v10 =	vld.idx.msk [tilespmem:v8+s14+$0x0], $0xffff;
	v3 =	vmul.f32 v7, v3;
	v7 =	vmul.f32 v12, v18  }
0x1da: {  	v12 =	vld.idx.msk [tilespmem:v8+s15+$0x0], $0xffff;
	v18 =	vor.u32 s24, v2;
	v8 =	vimm.f32 $0.0e+00  }
0x1db: {  	s21 =	simm.s32 $0x8;
	v22 =	vld.idx.msk [tilespmem:v6+s14+$0x0], $0xffff;
	v3 =	vadd.f32 v3, v8;
	v7 =	vmul.f32 v17, v7;
	v8 =	vmul.f32 v11, v19  }
0x1dc: {  	v21 =	vor.u32 s21, v2;
	v11 =	vld.idx.msk [tilespmem:v6+s15+$0x0], $0xffff  }
0x1dd: {  	v19 =	vld.idx.msk [tilespmem:v5+s14+$0x0], $0xffff;
	v9 =	vmul.f32 v9, v20;
	v6 =	vadd.f32 v7, v3;
	v7 =	vmul.f32 v15, v8  }
0x1de: {  	v20 =	vld.idx.msk [tilespmem:v5+s15+$0x0], $0xffff  }
0x1df: {  	s25 =	simm.s32 $0xE;
	v8 =	vld.idx.msk [tilespmem:v18+s14+$0x0], $0xffff;
	v5 =	vadd.f32 v7, v6;
	v7 =	vmul.f32 v14, v9  }
0x1e0: {  	s28 =	simm.s32 $0xD;
	v3 =	vor.u32 s25, v2;
	v15 =	vld.idx.msk [tilespmem:v18+s16+$0x0], $0xffff;
	v9 =	vmul.f32 v12, v10  }
0x1e1: {  	s26 =	simm.s32 $0xC;
	v12 =	vld.idx.msk [tilespmem:v18+s15+$0x0], $0xffff;
	v17 =	vadd.f32 v7, v5;
	v5 =	vor.u32 s28, v2  }
0x1e2: {  	s29 =	simm.s32 $0xA;
	s30 =	simm.s32 $0xB;
	v6 =	vld.idx.msk [tilespmem:v21+s16+$0x0], $0xffff;
	v18 =	vmul.f32 v11, v22;
	v9 =	vmul.f32 v13, v9;
	v7 =	vor.u32 s26, v2  }
0x1e3: {  	v10 =	vld.idx.msk [tilespmem:v21+s14+$0x0], $0xffff;
	v14 =	vor.u32 s29, v2;
	v11 =	vor.u32 s30, v2  }
0x1e4: {  	s31 =	simm.s32 $0x9;
	v13 =	vld.idx.msk [tilespmem:v21+s15+$0x0], $0xffff;
	v19 =	vmul.f32 v20, v19;
	v18 =	vmul.f32 v16, v18;
	v17 =	vadd.f32 v9, v17  }
0x1e5: {  	s0 =	simm.s32 $0x10;
	v16 =	vor.u32 s31, v2;
	v9 =	vld.idx.msk [tilespmem:v3+s16+$0x0], $0xffff  }
.LBB2_5:
0x1e6: {  	p0 =	slt.u32 s0, $0x38;
	v20 =	vld.idx.msk [tilespmem:v5+s16+$0x0], $0xffff;
	v17 =	vadd.f32 v18, v17;
	v4 =	vmul.f32 v4, v19;
	v8 =	vmul.f32 v12, v8  }
0x1e7: {  	v18 =	vld.idx.msk [tilespmem:v7+s16+$0x0], $0xffff  }
0x1e8: {  	v12 =	vld.idx.msk [tilespmem:v11+s16+$0x0], $0xffff;
	v21 =	vadd.f32 v4, v17;
	v8 =	vmul.f32 v15, v8  }
0x1e9: {  	v15 =	vld.idx.msk [tilespmem:v14+s16+$0x0], $0xffff  }
0x1ea: {  	v17 =	vld.idx.msk [tilespmem:v16+s16+$0x0], $0xffff;
	v8 =	vadd.f32 v8, v21  }
0x1eb: {  	v4 =	vmov v9;
	v19 =	vld.idx.msk [tilespmem:v16+s14+$0x0], $0xffff  }
0x1ec: {  	v9 =	vld.idx.msk [tilespmem:v16+s15+$0x0], $0xffff  }
0x1ed: {  	v16 =	vld.idx.msk [tilespmem:v14+s14+$0x0], $0xffff  }
0x1ee: {  	v14 =	vld.idx.msk [tilespmem:v14+s15+$0x0], $0xffff  }
0x1ef: {  	v21 =	vld.idx.msk [tilespmem:v11+s14+$0x0], $0xffff  }
0x1f0: {  	v10 =	vmul.f32 v13, v10;
	v11 =	vld.idx.msk [tilespmem:v11+s15+$0x0], $0xffff  }
0x1f1: {  	s2 =	sadd.s32 $0x7, s21;
	s21 =	smov.u32 s0;
	v13 =	vld.idx.msk [tilespmem:v7+s14+$0x0], $0xffff  }
0x1f2: {  	v6 =	vmul.f32 v6, v10;
	v10 =	vor.u32 s2, v2;
	v9 =	vmul.f32 v9, v19;
	v7 =	vld.idx.msk [tilespmem:v7+s15+$0x0], $0xffff  }
0x1f3: {  	v19 =	vor.u32 s0, v2;
	v22 =	vld.idx.msk [tilespmem:v5+s14+$0x0], $0xffff  }
0x1f4: {  	v6 =	vadd.f32 v6, v8;
	v8 =	vmul.f32 v17, v9;
	v9 =	vmul.f32 v14, v16;
	v14 =	vld.idx.msk [tilespmem:v5+s15+$0x0], $0xffff  }
0x1f5: {  	v16 =	vld.idx.msk [tilespmem:v3+s14+$0x0], $0xffff  }
0x1f6: {  	s2 =	sadd.s32 $0x6, s0;
	v5 =	vadd.f32 v8, v6;
	v6 =	vmul.f32 v15, v9;
	v9 =	vmul.f32 v11, v21;
	v21 =	vld.idx.msk [tilespmem:v3+s15+$0x0], $0xffff  }
0x1f7: {  	v3 =	vor.u32 s2, v2;
	v8 =	vld.idx.msk [tilespmem:v10+s14+$0x0], $0xffff  }
0x1f8: {  	s5 =	sadd.s32 $0x5, s0;
	s2 =	sadd.s32 $0x4, s0;
	v11 =	vadd.f32 v6, v5;
	v9 =	vmul.f32 v12, v9;
	v13 =	vmul.f32 v7, v13;
	v12 =	vld.idx.msk [tilespmem:v10+s15+$0x0], $0xffff  }
.Ltmp1:
0x1f9: {  	v7 =	vor.u32 s2, v2;
	v5 =	vor.u32 s5, v2;
	v6 =	vld.idx.msk [tilespmem:v19+s16+$0x0], $0xffff;
	(pc) =	sbr.rel @p0 .LBB2_5-.Ltmp1, $4  }
0x1fa: {  	s2 =	sadd.s32 $0x2, s0;
	s5 =	sadd.s32 $0x3, s0;
	v9 =	vadd.f32 v9, v11;
	v17 =	vmul.f32 v18, v13;
	v18 =	vmul.f32 v14, v22;
	v15 =	vld.idx.msk [tilespmem:v10+s16+$0x0], $0xffff  }
0x1fb: {  	v14 =	vor.u32 s2, v2;
	v11 =	vor.u32 s5, v2;
	v10 =	vld.idx.msk [tilespmem:v19+s14+$0x0], $0xffff  }
0x1fc: {  	s2 =	sadd.s32 $0x1, s0;
	v17 =	vadd.f32 v17, v9;
	v18 =	vmul.f32 v20, v18;
	v13 =	vld.idx.msk [tilespmem:v19+s15+$0x0], $0xffff;
	v19 =	vmul.f32 v21, v16  }
0x1fd: {  	s0 =	sadd.s32 $0x8, s0;
	v16 =	vor.u32 s2, v2;
	v9 =	vld.idx.msk [tilespmem:v3+s16+$0x0], $0xffff  }
0x1fe: {  	_ =	sdelay $0x3  }
0x1ff: {  	v20 =	vld.idx.msk [tilespmem:v5+s16+$0x0], $0xffff  }
0x200: {  	v21 =	vld.idx.msk [tilespmem:v7+s16+$0x0], $0xffff  }
0x201: {  	v22 =	vld.idx.msk [tilespmem:v11+s16+$0x0], $0xffff  }
0x202: {  	v23 =	vld.idx.msk [tilespmem:v14+s16+$0x0], $0xffff  }
0x203: {  	v24 =	vld.idx.msk [tilespmem:v16+s16+$0x0], $0xffff  }
0x204: {  	v25 =	vld.idx.msk [tilespmem:v16+s14+$0x0], $0xffff  }
0x205: {  	v44 =	vld.idx.msk [tilespmem:v16+s15+$0x0], $0xffff  }
0x206: {  	v17 =	vadd.f32 v18, v17;
	v4 =	vmul.f32 v4, v19;
	v8 =	vmul.f32 v12, v8;
	v45 =	vld.idx.msk [tilespmem:v14+s14+$0x0], $0xffff  }
0x207: {  	v46 =	vld.idx.msk [tilespmem:v14+s15+$0x0], $0xffff  }
0x208: {  	v47 =	vld.idx.msk [tilespmem:v11+s14+$0x0], $0xffff;
	v4 =	vadd.f32 v4, v17;
	v8 =	vmul.f32 v15, v8;
	v10 =	vmul.f32 v13, v10  }
0x209: {  	v48 =	vld.idx.msk [tilespmem:v11+s15+$0x0], $0xffff  }
0x20a: {  	v49 =	vld.idx.msk [tilespmem:v7+s14+$0x0], $0xffff;
	s0 =	sadd.s32 $0x7, s21;
	v4 =	vadd.f32 v8, v4;
	v6 =	vmul.f32 v6, v10;
	v50 =	vmul.f32 v44, v25  }
0x20b: {  	v51 =	vld.idx.msk [tilespmem:v7+s15+$0x0], $0xffff;
	v2 =	vor.u32 s0, v2  }
0x20c: {  	v52 =	vld.idx.msk [tilespmem:v5+s14+$0x0], $0xffff;
	v54 =	vmul.f32 v46, v45;
	v4 =	vadd.f32 v6, v4;
	v53 =	vmul.f32 v24, v50  }
0x20d: {  	v55 =	vld.idx.msk [tilespmem:v5+s15+$0x0], $0xffff  }
0x20e: {  	v56 =	vld.idx.msk [tilespmem:v3+s14+$0x0], $0xffff;
	v58 =	vmul.f32 v48, v47;
	v57 =	vmul.f32 v23, v54;
	v4 =	vadd.f32 v53, v4  }
0x20f: {  	v3 =	vld.idx.msk [tilespmem:v3+s15+$0x0], $0xffff  }
0x210: {  	v7 =	vmul.f32 v51, v49;
	v59 =	vld.idx.msk [tilespmem:v2+s14+$0x0], $0xffff;
	v60 =	vmul.f32 v22, v58;
	v4 =	vadd.f32 v57, v4  }
0x211: {  	v61 =	vld.idx.msk [tilespmem:v2+s15+$0x0], $0xffff  }
0x212: {  	v5 =	vmul.f32 v55, v52;
	v62 =	vmul.f32 v21, v7;
	v4 =	vadd.f32 v60, v4  }
0x213: {  	v2 =	vld.idx.msk [tilespmem:v2+s16+$0x0], $0xffff  }
0x214: {  	v3 =	vmul.f32 v3, v56;
	v5 =	vmul.f32 v20, v5;
	v4 =	vadd.f32 v62, v4;
	_ =	sdelay $0x1  }
0x215: {  	s31 =	sshll.u32 s20, $0x4;
	s20 =	sadd.s32 $0x1, s20;
	v3 =	vmul.f32 v9, v3;
	v63 =	vmul.f32 v61, v59;
	v4 =	vadd.f32 v5, v4  }
0x216: {  	p0 =	sne.s32 s20, $0x20  }
.Ltmp2:
0x217: {  	v2 =	vmul.f32 v2, v63;
	v3 =	vadd.f32 v3, v4;
	(pc) =	sbr.rel @p0 .LBB2_4-.Ltmp2, $4  }
0x218: {  	_ = 	snop  }
0x219: {  	v2 =	vadd.f32 v2, v3  }
0x21a: {  	s0 =	sand.u32 $0x3FFFFFF0, s31  }
0x21b: {  	[tilespmem:s0+$0x18600] =	vst v2  }
0x21c: {  	s0 =	rddreg [dreg:$0xb];
	s2 =	simm.s32 $0x18600;
	s5 =	simm.s32 $0x2  }
0x21d: {  	[hbm4b:s0+s1] =	stream.linear.scatter [tilespmem:s2], [sflag:$0x2], $0x200, $0x38;
	[tilespmem:$0x18800] =	vst v63  }
0x21e: {  	_ =	swait.ge [sflag:s5], $0x200  }
0x21f: {  	s30 =	rddreg [dreg:$0xd]  }
0x220: {  	s31 =	rddreg [dreg:$0xc];
	s2 =	sadd.s32 $0x1, s30  }
0x221: {  	p0 =	sne.s32 s2, s31  }
.Ltmp3:
0x222: {  	_ = 	snop;
	(pc) =	sbr.rel @p0 .LBB2_1-.Ltmp3, $3  }
0x223: {  	_ =	sdelay $0x1  }
0x224: {  	[sflag:s5] =	ssyncset.done $0x0  }
0x225: {  	[sflag:s5] =	ssyncadd.s32 $0xFFFFFE00  }
0x226: {  	_ =	sfence.sel $0x180000  }
0x227: {  	[bflag:$0x0] =	sbarrier.arrive $0xFFFF  }
0x228: {  	_ =	strace $0x90000047  }
0x229: {  	s0 =	stileid.u32;
	[bflag:$0x2] =	sbarrier.arrive $0xFFFF  }
0x22a: {  	p0 =	sne.s32 s0, $0x0;
	s0 =	rddreg [dreg:$0x5]  }
0x22b: {  	s0 =	sadd.s32 @!p0 $0x100000, s0  }
0x22c: {  	[sflag:s0] =	ssyncadd.tile.s32 @!p0 $0x1;
	_ =	shalt  }
.Lfunc_end2:
_tile_overlayer_lowered:
.L_overlay_start_2:
0x22d: {  	(tag) =	ssettag $0x2  }
0x22e: {  	s0 =	rddreg [dreg:$0x0];
	s2 =	stileid.u32  }
0x22f: {  	s1 =	rddreg [dreg:$0x1];
	p0 =	sne.s32 s2, $0x0  }
0x230: {  	s3 =	rddreg [dreg:$0x2];
	[bflag:$0x3] =	sbarrier.arrive $0xFFFF;
	s2 =	simm.s32 @!p0 $0x1C02  }
0x231: {  	[timem:s3], [sflag:s2] =	dma.local @!p0 [hbm:s0], s1  }
0x232: {  	s0 =	simm.s32 @!p0 $0x2  }
0x233: {  	_ =	swait.ge @!p0 [sflag:s0], s1  }
0x234: {  	s1 =	ssub.s32 @!p0 $0x0, s1;
	[sflag:s0] =	ssyncset.done @!p0 $0x0  }
0x235: {  	[sflag:s0] =	ssyncadd.s32 @!p0 s1  }
0x236: {  	[bflag:$0x3] =	sbarrier.arrive $0xFFFF  }
0x237: {  	_ =	shalt  }

</sc_bundles>
